<compile_context>
chip_gen: v7x
topology: tpu7x:2x2x1
jax: 0.10.2.dev20260603
libtpu: 0.0.44.dev20260713+nightly
codegen_flags: <defaults>
</compile_context>

<pallas_src>
import functools

import jax
import jax.numpy as jnp
from jax import lax
from jax.experimental import pallas as pl
from jax.experimental.pallas import tpu as pltpu
from jax.experimental.pallas import tpu_sc as plsc



def _router_body(x_ref, w1_ref, b1_ref, w2_ref, b2_ref, s_ref):
    T, C, N = x_ref.shape[1], x_ref.shape[2], x_ref.shape[3]
    xm = jnp.mean(x_ref[0], axis=0)

    iot = lax.broadcasted_iota(jnp.int32, (1, N), 1)
    hh = iot // 64
    ww = iot % 64

    acc = jnp.broadcast_to(b1_ref[0][:, None], (24, N))
    for k9 in range(9):
        dy, dx = k9 // 3 - 1, k9 % 3 - 1
        sft = dy * 64 + dx
        sh = jnp.roll(xm, -sft, axis=1) if sft else xm
        valid = ((hh + dy >= 0) & (hh + dy < 64)
                 & (ww + dx >= 0) & (ww + dx < 64))
        m = valid.astype(jnp.float32)
        acc = acc + lax.dot(w1_ref[k9], sh,
                            preferred_element_type=jnp.float32) * m

    h = jnp.where(acc >= 0, acc, 0.01 * acc)
    s = lax.dot(w2_ref[...], h, preferred_element_type=jnp.float32)
    s = s + b2_ref[0, 0]
    s_ref[0] = jax.nn.sigmoid(s)


def _router(x4, w1r, b1r, w2r, b2r):
    B, T, C, N = x4.shape
    return pl.pallas_call(
        _router_body,
        grid=(B,),
        in_specs=[
            pl.BlockSpec((1, T, C, N), lambda b: (b, 0, 0, 0)),
            pl.BlockSpec((9, 24, C), lambda b: (0, 0, 0)),
            pl.BlockSpec((1, 24), lambda b: (0, 0)),
            pl.BlockSpec((1, 24), lambda b: (0, 0)),
            pl.BlockSpec((1, 1), lambda b: (0, 0)),
        ],
        out_specs=pl.BlockSpec((1, 1, N), lambda b: (b, 0, 0)),
        out_shape=jax.ShapeDtypeStruct((B, 1, N), jnp.float32),
    )(x4, w1r, b1r, w2r, b2r).reshape(B, N)



def _make_sc_gather(B, P, N, K):
    info = plsc.get_sparse_core_info()
    NC, NS = info.num_cores, info.num_subcores
    NW = NC * NS
    per_w = P // NW
    mesh = plsc.VectorSubcoreMesh(core_axis_name="c", subcore_axis_name="s")

    @functools.partial(
        pl.kernel,
        mesh=mesh,
        compiler_params=pltpu.CompilerParams(needs_layout_passes=False),
        out_type=jax.ShapeDtypeStruct((B * P, K), jnp.float32),
        scratch_types=[
            pltpu.VMEM((K,), jnp.int32),
            pltpu.VMEM((N,), jnp.float32),
            pltpu.VMEM((K,), jnp.float32),
        ],
    )
    def gather_k(x_hbm, idx_hbm, y_hbm, idx_v, plane_v, out_v):
        wid = lax.axis_index("s") * NC + lax.axis_index("c")
        for b in range(B):
            pltpu.sync_copy(idx_hbm.at[b], idx_v)
            base = b * P + wid * per_w

            def plane_body(p, _):
                row = base + p
                pltpu.sync_copy(x_hbm.at[row], plane_v)

                def g_body(j, carry):
                    iv = idx_v[pl.ds(j * 16, 16)]
                    out_v[pl.ds(j * 16, 16)] = plsc.load_gather(
                        plane_v, [iv])
                    return carry

                lax.fori_loop(0, K // 16, g_body, 0)
                pltpu.sync_copy(out_v, y_hbm.at[row])
                return _

            lax.fori_loop(0, per_w, plane_body, 0)

    return gather_k



def _tr_body(y_ref, sc_ref, o_ref):
    o_ref[0] = jnp.transpose(y_ref[0]) * sc_ref[0, 0][:, None]


def _transpose_scale(y3, scale):
    B, P, K = y3.shape
    BK, BP = 256, 256
    return pl.pallas_call(
        _tr_body,
        grid=(B, K // BK, P // BP),
        in_specs=[
            pl.BlockSpec((1, BP, BK), lambda b, ki, pj: (b, pj, ki)),
            pl.BlockSpec((1, 1, BK), lambda b, ki, pj: (b, 0, ki)),
        ],
        out_specs=pl.BlockSpec((1, BK, BP), lambda b, ki, pj: (b, ki, pj)),
        out_shape=jax.ShapeDtypeStruct((B, K, P), jnp.float32),
    )(y3, scale.reshape(B, 1, K))



def kernel(x, W1, b1, W2, b2):
    B, T, C, H, W = x.shape
    N = H * W
    K = max(1, N // 2)
    P = T * C

    x4 = x.reshape(B, T, C, N)
    w1r = jnp.transpose(W1, (2, 3, 0, 1)).reshape(9, 24, C)
    b1r = b1.reshape(1, 24)
    w2r = W2.reshape(1, 24)
    b2r = b2.reshape(1, 1)

    scores = _router(x4, w1r, b1r, w2r, b2r)

    _, top_i = lax.top_k(scores, K)
    idx = jnp.sort(top_i, axis=1).astype(jnp.int32)
    sg = jnp.take_along_axis(scores, idx, axis=1)
    scale = sg / (sg + 1e-6)

    y2 = _make_sc_gather(B, P, N, K)(x4.reshape(B * P, N), idx)
    out = _transpose_scale(y2.reshape(B, P, K), scale)
    return out.reshape(B, K, T, C), idx

# --- scband reference (transcript-rebuilt; emitter-appended) ---
"""Pipeline reference for scband-learnable-sparse-handler-12094627905783 (READ-ONLY COPY).

The authoritative reference and input builder live on the scoring server;
editing this copy changes nothing except your own understanding.
"""

import jax, jax.numpy as jnp
import numpy as np
from jax import lax


def _conv(x, w, b):
    y = lax.conv_general_dilated(x, w, (1, 1), 'SAME', dimension_numbers=('NCHW', 'OIHW', 'NCHW'))
    return y + b[None, :, None, None]


def setup_inputs(seed: int = 0) -> dict:
    key = jax.random.key(seed)
    ks = jax.random.split(key, 4)
    B, T, C, H, W = 8, 8, 96, 64, 64
    x = jax.random.normal(ks[0], (B, T, C, H, W), dtype=jnp.float32)
    # router params: Conv2d(96 -> 24, k=3, pad=1), LeakyReLU, Conv2d(24 -> 1, k=1)
    W1 = jax.random.normal(ks[1], (24, 96, 3, 3), dtype=jnp.float32) * 0.02
    b1 = jnp.zeros((24,), dtype=jnp.float32)
    W2 = jax.random.normal(ks[2], (1, 24, 1, 1), dtype=jnp.float32) * 0.02
    b2 = jnp.zeros((1,), dtype=jnp.float32)
    return {"x": x, "W1": W1, "b1": b1, "W2": W2, "b2": b2}


def reference(x, W1, b1, W2, b2):
    # LearnableSparseHandler.sparsify, eval mode (no noise injection)
    sparse_ratio = 0.5
    B, T, C, H, W = x.shape
    N = H * W
    x_mean = jnp.mean(x, axis=1)  # [B, C, H, W]
    h = _conv(x_mean, W1, b1)
    h = jnp.where(h >= 0, h, 0.01 * h)  # LeakyReLU(0.01)
    s = _conv(h, W2, b2)  # [B, 1, H, W]
    scores_flat = jax.nn.sigmoid(s).reshape(B, N)
    keep_k = max(1, int(N * (1.0 - sparse_ratio)))
    top_scores, top_indices = lax.top_k(scores_flat, keep_k)
    top_indices = jnp.sort(top_indices, axis=1)
    x_flat = jnp.transpose(x, (0, 3, 4, 1, 2)).reshape(B, N, T, C)
    idx = jnp.broadcast_to(top_indices[:, :, None, None], (B, keep_k, T, C))
    x_gathered = jnp.take_along_axis(x_flat, idx, axis=1)
    score_gathered = jnp.take_along_axis(scores_flat, top_indices, axis=1)[:, :, None, None]
    eps = 1e-06
    scale_factor = score_gathered / (lax.stop_gradient(score_gathered) + eps)
    x_sparse = x_gathered * scale_factor
    return x_sparse, top_indices

if __name__ == "__main__":
    import jax
    _d = setup_inputs()
    print(jax.jit(kernel)(*tuple(_d.values())))

</pallas_src>

<mosaic_0001>
#map = affine_map<(d0, d1) -> (0, 0)>
module attributes {stable_mosaic.version = 14 : i64} {
  func.func @gather_k(%arg0: i32, %arg1: i32, %arg2: memref<6144x4096xf32, #tpu.memory_space<hbm>>, %arg3: memref<8x2048xi32, #tpu.memory_space<hbm>>, %arg4: memref<6144x2048xf32, #tpu.memory_space<hbm>>, %arg5: memref<2048xi32, #tpu.memory_space<vmem>>, %arg6: memref<4096xf32, #tpu.memory_space<vmem>>, %arg7: memref<2048xf32, #tpu.memory_space<vmem>>) attributes {dimension_semantics = [#tpu.dimension_semantics<core_parallel>, #tpu.dimension_semantics<subcore_parallel>], iteration_bounds = array<i64: 2, 16>, scalar_prefetch = 0 : i64, scratch_operands = 3 : i64, tpu.core_type = #tpu.core_type<sc_vector_subcore>, window_params = [{transform_indices = #map}, {transform_indices = #map}, {transform_indices = #map}]} {
    %mul3A = arith.constant 2 : i32
    %mul3A_0 = arith.muli %arg1, %mul3A : i32
    %add3A = arith.addi %mul3A_0, %arg0 : i32
    %run_scoped3A = arith.constant 0 : i32
    "tpu.region"() ({
      %run_scoped3A_87 = tpu.sem_alloc : memref<!tpu.dma_semaphore, #tpu.memory_space<semaphore_mem>>
      %dma_start3A = arith.constant 0 : i32
      %dma_start3A_88 = tpu.memref_slice %arg3[%run_scoped3A, %dma_start3A] : memref<8x2048xi32, #tpu.memory_space<hbm>> -> memref<1x2048xi32, #tpu.memory_space<hbm>>
      %dma_start3A_89 = tpu.memref_squeeze %dma_start3A_88 : memref<1x2048xi32, #tpu.memory_space<hbm>> -> memref<2048xi32, #tpu.memory_space<hbm>>
      %dma_start3A_90 = arith.constant 0 : i32
      %dma_start3A_91 = tpu.memref_slice %arg3[%run_scoped3A, %dma_start3A_90] : memref<8x2048xi32, #tpu.memory_space<hbm>> -> memref<1x2048xi32, #tpu.memory_space<hbm>>
      %dma_start3A_92 = tpu.memref_squeeze %dma_start3A_91 : memref<1x2048xi32, #tpu.memory_space<hbm>> -> memref<2048xi32, #tpu.memory_space<hbm>>
      tpu.enqueue_dma source(%dma_start3A_92 : memref<2048xi32, #tpu.memory_space<hbm>>) target(%arg5 : memref<2048xi32, #tpu.memory_space<vmem>>) target_semaphore(%run_scoped3A_87 : memref<!tpu.dma_semaphore, #tpu.memory_space<semaphore_mem>>)
      %dma_wait3A = arith.constant 0 : i32
      %dma_wait3A_93 = tpu.memref_slice %arg3[%run_scoped3A, %dma_wait3A] : memref<8x2048xi32, #tpu.memory_space<hbm>> -> memref<1x2048xi32, #tpu.memory_space<hbm>>
      %dma_wait3A_94 = tpu.memref_squeeze %dma_wait3A_93 : memref<1x2048xi32, #tpu.memory_space<hbm>> -> memref<2048xi32, #tpu.memory_space<hbm>>
      %dma_wait3A_95 = arith.constant 0 : i32
      %dma_wait3A_96 = tpu.memref_slice %arg3[%run_scoped3A, %dma_wait3A_95] : memref<8x2048xi32, #tpu.memory_space<hbm>> -> memref<1x2048xi32, #tpu.memory_space<hbm>>
      %dma_wait3A_97 = tpu.memref_squeeze %dma_wait3A_96 : memref<1x2048xi32, #tpu.memory_space<hbm>> -> memref<2048xi32, #tpu.memory_space<hbm>>
      tpu.wait_dma2 semaphore(%run_scoped3A_87 : memref<!tpu.dma_semaphore, #tpu.memory_space<semaphore_mem>>) src(%dma_wait3A_97 : memref<2048xi32, #tpu.memory_space<hbm>>) dst(%arg5 : memref<2048xi32, #tpu.memory_space<vmem>>)
      tpu.yield
    }) : () -> ()
    %mul3A_1 = arith.constant 24 : i32
    %mul3A_2 = arith.muli %add3A, %mul3A_1 : i32
    %add3A_3 = arith.constant 0 : i32
    %add3A_4 = arith.addi %add3A_3, %mul3A_2 : i32
    %scan3A = arith.constant 0 : i32
    %scan3A_5 = arith.constant 0 : i32
    %scan3A_6 = arith.constant 24 : i32
    %scan3A_7 = arith.addi %scan3A_5, %scan3A_6 : i32
    %scan3A_8 = arith.constant 1 : i32
    scf.for %scan3A_87 = %scan3A_5 to %scan3A_7 step %scan3A_8  : i32 {
      %add3A_88 = arith.addi %add3A_4, %scan3A_87 : i32
      "tpu.region"() ({
        %run_scoped3A_95 = tpu.sem_alloc : memref<!tpu.dma_semaphore, #tpu.memory_space<semaphore_mem>>
        %dma_start3A = arith.constant 0 : i32
        %dma_start3A_96 = tpu.memref_slice %arg2[%add3A_88, %dma_start3A] : memref<6144x4096xf32, #tpu.memory_space<hbm>> -> memref<1x4096xf32, #tpu.memory_space<hbm>>
        %dma_start3A_97 = tpu.memref_squeeze %dma_start3A_96 : memref<1x4096xf32, #tpu.memory_space<hbm>> -> memref<4096xf32, #tpu.memory_space<hbm>>
        %dma_start3A_98 = arith.constant 0 : i32
        %dma_start3A_99 = tpu.memref_slice %arg2[%add3A_88, %dma_start3A_98] : memref<6144x4096xf32, #tpu.memory_space<hbm>> -> memref<1x4096xf32, #tpu.memory_space<hbm>>
        %dma_start3A_100 = tpu.memref_squeeze %dma_start3A_99 : memref<1x4096xf32, #tpu.memory_space<hbm>> -> memref<4096xf32, #tpu.memory_space<hbm>>
        tpu.enqueue_dma source(%dma_start3A_100 : memref<4096xf32, #tpu.memory_space<hbm>>) target(%arg6 : memref<4096xf32, #tpu.memory_space<vmem>>) target_semaphore(%run_scoped3A_95 : memref<!tpu.dma_semaphore, #tpu.memory_space<semaphore_mem>>)
        %dma_wait3A = arith.constant 0 : i32
        %dma_wait3A_101 = tpu.memref_slice %arg2[%add3A_88, %dma_wait3A] : memref<6144x4096xf32, #tpu.memory_space<hbm>> -> memref<1x4096xf32, #tpu.memory_space<hbm>>
        %dma_wait3A_102 = tpu.memref_squeeze %dma_wait3A_101 : memref<1x4096xf32, #tpu.memory_space<hbm>> -> memref<4096xf32, #tpu.memory_space<hbm>>
        %dma_wait3A_103 = arith.constant 0 : i32
        %dma_wait3A_104 = tpu.memref_slice %arg2[%add3A_88, %dma_wait3A_103] : memref<6144x4096xf32, #tpu.memory_space<hbm>> -> memref<1x4096xf32, #tpu.memory_space<hbm>>
        %dma_wait3A_105 = tpu.memref_squeeze %dma_wait3A_104 : memref<1x4096xf32, #tpu.memory_space<hbm>> -> memref<4096xf32, #tpu.memory_space<hbm>>
        tpu.wait_dma2 semaphore(%run_scoped3A_95 : memref<!tpu.dma_semaphore, #tpu.memory_space<semaphore_mem>>) src(%dma_wait3A_105 : memref<4096xf32, #tpu.memory_space<hbm>>) dst(%arg6 : memref<4096xf32, #tpu.memory_space<vmem>>)
        tpu.yield
      }) : () -> ()
      %scan3A_89 = arith.constant 0 : i32
      %scan3A_90 = arith.constant 0 : i32
      %scan3A_91 = arith.constant 128 : i32
      %scan3A_92 = arith.addi %scan3A_90, %scan3A_91 : i32
      %scan3A_93 = arith.constant 1 : i32
      scf.for %scan3A_95 = %scan3A_90 to %scan3A_92 step %scan3A_93  : i32 {
        %mul3A_96 = arith.constant 16 : i32
        %mul3A_97 = arith.muli %scan3A_95, %mul3A_96 : i32
        %get3A = arith.index_cast %mul3A_97 : i32 to index
        %get3A_98 = tpu.vector_load %arg5[%get3A] {strides = array<i32>} : memref<2048xi32, #tpu.memory_space<vmem>>, vector<16xi32>,
        %gather3A = tpu.vector_load_idx %arg6[%get3A_98] : memref<4096xf32, #tpu.memory_space<vmem>>[vector<16xi32>], vector<16xf32>,
        %mul3A_99 = arith.constant 16 : i32
        %mul3A_100 = arith.muli %scan3A_95, %mul3A_99 : i32
        %swap3A = arith.index_cast %mul3A_100 : i32 to index
        %swap3A_101 = tpu.vector_load %arg7[%swap3A] {strides = array<i32>} : memref<2048xf32, #tpu.memory_space<vmem>>, vector<16xf32>,
        tpu.vector_store %arg7[%swap3A], %gather3A {strides = array<i32>} : memref<2048xf32, #tpu.memory_space<vmem>>, vector<16xf32>,
      }
      %scan3A_94 = arith.constant 128 : i32
      "tpu.region"() ({
        %run_scoped3A_95 = tpu.sem_alloc : memref<!tpu.dma_semaphore, #tpu.memory_space<semaphore_mem>>
        %dma_start3A = arith.constant 0 : i32
        %dma_start3A_96 = tpu.memref_slice %arg4[%add3A_88, %dma_start3A] : memref<6144x2048xf32, #tpu.memory_space<hbm>> -> memref<1x2048xf32, #tpu.memory_space<hbm>>
        %dma_start3A_97 = tpu.memref_squeeze %dma_start3A_96 : memref<1x2048xf32, #tpu.memory_space<hbm>> -> memref<2048xf32, #tpu.memory_space<hbm>>
        %dma_start3A_98 = arith.constant 0 : i32
        %dma_start3A_99 = tpu.memref_slice %arg4[%add3A_88, %dma_start3A_98] : memref<6144x2048xf32, #tpu.memory_space<hbm>> -> memref<1x2048xf32, #tpu.memory_space<hbm>>
        %dma_start3A_100 = tpu.memref_squeeze %dma_start3A_99 : memref<1x2048xf32, #tpu.memory_space<hbm>> -> memref<2048xf32, #tpu.memory_space<hbm>>
        tpu.enqueue_dma source(%arg7 : memref<2048xf32, #tpu.memory_space<vmem>>) target(%dma_start3A_100 : memref<2048xf32, #tpu.memory_space<hbm>>) target_semaphore(%run_scoped3A_95 : memref<!tpu.dma_semaphore, #tpu.memory_space<semaphore_mem>>)
        %dma_wait3A = arith.constant 0 : i32
        %dma_wait3A_101 = tpu.memref_slice %arg4[%add3A_88, %dma_wait3A] : memref<6144x2048xf32, #tpu.memory_space<hbm>> -> memref<1x2048xf32, #tpu.memory_space<hbm>>
        %dma_wait3A_102 = tpu.memref_squeeze %dma_wait3A_101 : memref<1x2048xf32, #tpu.memory_space<hbm>> -> memref<2048xf32, #tpu.memory_space<hbm>>
        %dma_wait3A_103 = arith.constant 0 : i32
        %dma_wait3A_104 = tpu.memref_slice %arg4[%add3A_88, %dma_wait3A_103] : memref<6144x2048xf32, #tpu.memory_space<hbm>> -> memref<1x2048xf32, #tpu.memory_space<hbm>>
        %dma_wait3A_105 = tpu.memref_squeeze %dma_wait3A_104 : memref<1x2048xf32, #tpu.memory_space<hbm>> -> memref<2048xf32, #tpu.memory_space<hbm>>
        tpu.wait_dma2 semaphore(%run_scoped3A_95 : memref<!tpu.dma_semaphore, #tpu.memory_space<semaphore_mem>>) src(%arg7 : memref<2048xf32, #tpu.memory_space<vmem>>) dst(%dma_wait3A_105 : memref<2048xf32, #tpu.memory_space<hbm>>)
        tpu.yield
      }) : () -> ()
    }
    %scan3A_9 = arith.constant 24 : i32
    %run_scoped3A_10 = arith.constant 1 : i32
    "tpu.region"() ({
      %run_scoped3A_87 = tpu.sem_alloc : memref<!tpu.dma_semaphore, #tpu.memory_space<semaphore_mem>>
      %dma_start3A = arith.constant 0 : i32
      %dma_start3A_88 = tpu.memref_slice %arg3[%run_scoped3A_10, %dma_start3A] : memref<8x2048xi32, #tpu.memory_space<hbm>> -> memref<1x2048xi32, #tpu.memory_space<hbm>>
      %dma_start3A_89 = tpu.memref_squeeze %dma_start3A_88 : memref<1x2048xi32, #tpu.memory_space<hbm>> -> memref<2048xi32, #tpu.memory_space<hbm>>
      %dma_start3A_90 = arith.constant 0 : i32
      %dma_start3A_91 = tpu.memref_slice %arg3[%run_scoped3A_10, %dma_start3A_90] : memref<8x2048xi32, #tpu.memory_space<hbm>> -> memref<1x2048xi32, #tpu.memory_space<hbm>>
      %dma_start3A_92 = tpu.memref_squeeze %dma_start3A_91 : memref<1x2048xi32, #tpu.memory_space<hbm>> -> memref<2048xi32, #tpu.memory_space<hbm>>
      tpu.enqueue_dma source(%dma_start3A_92 : memref<2048xi32, #tpu.memory_space<hbm>>) target(%arg5 : memref<2048xi32, #tpu.memory_space<vmem>>) target_semaphore(%run_scoped3A_87 : memref<!tpu.dma_semaphore, #tpu.memory_space<semaphore_mem>>)
      %dma_wait3A = arith.constant 0 : i32
      %dma_wait3A_93 = tpu.memref_slice %arg3[%run_scoped3A_10, %dma_wait3A] : memref<8x2048xi32, #tpu.memory_space<hbm>> -> memref<1x2048xi32, #tpu.memory_space<hbm>>
      %dma_wait3A_94 = tpu.memref_squeeze %dma_wait3A_93 : memref<1x2048xi32, #tpu.memory_space<hbm>> -> memref<2048xi32, #tpu.memory_space<hbm>>
      %dma_wait3A_95 = arith.constant 0 : i32
      %dma_wait3A_96 = tpu.memref_slice %arg3[%run_scoped3A_10, %dma_wait3A_95] : memref<8x2048xi32, #tpu.memory_space<hbm>> -> memref<1x2048xi32, #tpu.memory_space<hbm>>
      %dma_wait3A_97 = tpu.memref_squeeze %dma_wait3A_96 : memref<1x2048xi32, #tpu.memory_space<hbm>> -> memref<2048xi32, #tpu.memory_space<hbm>>
      tpu.wait_dma2 semaphore(%run_scoped3A_87 : memref<!tpu.dma_semaphore, #tpu.memory_space<semaphore_mem>>) src(%dma_wait3A_97 : memref<2048xi32, #tpu.memory_space<hbm>>) dst(%arg5 : memref<2048xi32, #tpu.memory_space<vmem>>)
      tpu.yield
    }) : () -> ()
    %mul3A_11 = arith.constant 24 : i32
    %mul3A_12 = arith.muli %add3A, %mul3A_11 : i32
    %add3A_13 = arith.constant 768 : i32
    %add3A_14 = arith.addi %add3A_13, %mul3A_12 : i32
    %scan3A_15 = arith.constant 0 : i32
    %scan3A_16 = arith.constant 0 : i32
    %scan3A_17 = arith.constant 24 : i32
    %scan3A_18 = arith.addi %scan3A_16, %scan3A_17 : i32
    %scan3A_19 = arith.constant 1 : i32
    scf.for %scan3A_87 = %scan3A_16 to %scan3A_18 step %scan3A_19  : i32 {
      %add3A_88 = arith.addi %add3A_14, %scan3A_87 : i32
      "tpu.region"() ({
        %run_scoped3A_95 = tpu.sem_alloc : memref<!tpu.dma_semaphore, #tpu.memory_space<semaphore_mem>>
        %dma_start3A = arith.constant 0 : i32
        %dma_start3A_96 = tpu.memref_slice %arg2[%add3A_88, %dma_start3A] : memref<6144x4096xf32, #tpu.memory_space<hbm>> -> memref<1x4096xf32, #tpu.memory_space<hbm>>
        %dma_start3A_97 = tpu.memref_squeeze %dma_start3A_96 : memref<1x4096xf32, #tpu.memory_space<hbm>> -> memref<4096xf32, #tpu.memory_space<hbm>>
        %dma_start3A_98 = arith.constant 0 : i32
        %dma_start3A_99 = tpu.memref_slice %arg2[%add3A_88, %dma_start3A_98] : memref<6144x4096xf32, #tpu.memory_space<hbm>> -> memref<1x4096xf32, #tpu.memory_space<hbm>>
        %dma_start3A_100 = tpu.memref_squeeze %dma_start3A_99 : memref<1x4096xf32, #tpu.memory_space<hbm>> -> memref<4096xf32, #tpu.memory_space<hbm>>
        tpu.enqueue_dma source(%dma_start3A_100 : memref<4096xf32, #tpu.memory_space<hbm>>) target(%arg6 : memref<4096xf32, #tpu.memory_space<vmem>>) target_semaphore(%run_scoped3A_95 : memref<!tpu.dma_semaphore, #tpu.memory_space<semaphore_mem>>)
        %dma_wait3A = arith.constant 0 : i32
        %dma_wait3A_101 = tpu.memref_slice %arg2[%add3A_88, %dma_wait3A] : memref<6144x4096xf32, #tpu.memory_space<hbm>> -> memref<1x4096xf32, #tpu.memory_space<hbm>>
        %dma_wait3A_102 = tpu.memref_squeeze %dma_wait3A_101 : memref<1x4096xf32, #tpu.memory_space<hbm>> -> memref<4096xf32, #tpu.memory_space<hbm>>
        %dma_wait3A_103 = arith.constant 0 : i32
        %dma_wait3A_104 = tpu.memref_slice %arg2[%add3A_88, %dma_wait3A_103] : memref<6144x4096xf32, #tpu.memory_space<hbm>> -> memref<1x4096xf32, #tpu.memory_space<hbm>>
        %dma_wait3A_105 = tpu.memref_squeeze %dma_wait3A_104 : memref<1x4096xf32, #tpu.memory_space<hbm>> -> memref<4096xf32, #tpu.memory_space<hbm>>
        tpu.wait_dma2 semaphore(%run_scoped3A_95 : memref<!tpu.dma_semaphore, #tpu.memory_space<semaphore_mem>>) src(%dma_wait3A_105 : memref<4096xf32, #tpu.memory_space<hbm>>) dst(%arg6 : memref<4096xf32, #tpu.memory_space<vmem>>)
        tpu.yield
      }) : () -> ()
      %scan3A_89 = arith.constant 0 : i32
      %scan3A_90 = arith.constant 0 : i32
      %scan3A_91 = arith.constant 128 : i32
      %scan3A_92 = arith.addi %scan3A_90, %scan3A_91 : i32
      %scan3A_93 = arith.constant 1 : i32
      scf.for %scan3A_95 = %scan3A_90 to %scan3A_92 step %scan3A_93  : i32 {
        %mul3A_96 = arith.constant 16 : i32
        %mul3A_97 = arith.muli %scan3A_95, %mul3A_96 : i32
        %get3A = arith.index_cast %mul3A_97 : i32 to index
        %get3A_98 = tpu.vector_load %arg5[%get3A] {strides = array<i32>} : memref<2048xi32, #tpu.memory_space<vmem>>, vector<16xi32>,
        %gather3A = tpu.vector_load_idx %arg6[%get3A_98] : memref<4096xf32, #tpu.memory_space<vmem>>[vector<16xi32>], vector<16xf32>,
        %mul3A_99 = arith.constant 16 : i32
        %mul3A_100 = arith.muli %scan3A_95, %mul3A_99 : i32
        %swap3A = arith.index_cast %mul3A_100 : i32 to index
        %swap3A_101 = tpu.vector_load %arg7[%swap3A] {strides = array<i32>} : memref<2048xf32, #tpu.memory_space<vmem>>, vector<16xf32>,
        tpu.vector_store %arg7[%swap3A], %gather3A {strides = array<i32>} : memref<2048xf32, #tpu.memory_space<vmem>>, vector<16xf32>,
      }
      %scan3A_94 = arith.constant 128 : i32
      "tpu.region"() ({
        %run_scoped3A_95 = tpu.sem_alloc : memref<!tpu.dma_semaphore, #tpu.memory_space<semaphore_mem>>
        %dma_start3A = arith.constant 0 : i32
        %dma_start3A_96 = tpu.memref_slice %arg4[%add3A_88, %dma_start3A] : memref<6144x2048xf32, #tpu.memory_space<hbm>> -> memref<1x2048xf32, #tpu.memory_space<hbm>>
        %dma_start3A_97 = tpu.memref_squeeze %dma_start3A_96 : memref<1x2048xf32, #tpu.memory_space<hbm>> -> memref<2048xf32, #tpu.memory_space<hbm>>
        %dma_start3A_98 = arith.constant 0 : i32
        %dma_start3A_99 = tpu.memref_slice %arg4[%add3A_88, %dma_start3A_98] : memref<6144x2048xf32, #tpu.memory_space<hbm>> -> memref<1x2048xf32, #tpu.memory_space<hbm>>
        %dma_start3A_100 = tpu.memref_squeeze %dma_start3A_99 : memref<1x2048xf32, #tpu.memory_space<hbm>> -> memref<2048xf32, #tpu.memory_space<hbm>>
        tpu.enqueue_dma source(%arg7 : memref<2048xf32, #tpu.memory_space<vmem>>) target(%dma_start3A_100 : memref<2048xf32, #tpu.memory_space<hbm>>) target_semaphore(%run_scoped3A_95 : memref<!tpu.dma_semaphore, #tpu.memory_space<semaphore_mem>>)
        %dma_wait3A = arith.constant 0 : i32
        %dma_wait3A_101 = tpu.memref_slice %arg4[%add3A_88, %dma_wait3A] : memref<6144x2048xf32, #tpu.memory_space<hbm>> -> memref<1x2048xf32, #tpu.memory_space<hbm>>
        %dma_wait3A_102 = tpu.memref_squeeze %dma_wait3A_101 : memref<1x2048xf32, #tpu.memory_space<hbm>> -> memref<2048xf32, #tpu.memory_space<hbm>>
        %dma_wait3A_103 = arith.constant 0 : i32
        %dma_wait3A_104 = tpu.memref_slice %arg4[%add3A_88, %dma_wait3A_103] : memref<6144x2048xf32, #tpu.memory_space<hbm>> -> memref<1x2048xf32, #tpu.memory_space<hbm>>
        %dma_wait3A_105 = tpu.memref_squeeze %dma_wait3A_104 : memref<1x2048xf32, #tpu.memory_space<hbm>> -> memref<2048xf32, #tpu.memory_space<hbm>>
        tpu.wait_dma2 semaphore(%run_scoped3A_95 : memref<!tpu.dma_semaphore, #tpu.memory_space<semaphore_mem>>) src(%arg7 : memref<2048xf32, #tpu.memory_space<vmem>>) dst(%dma_wait3A_105 : memref<2048xf32, #tpu.memory_space<hbm>>)
        tpu.yield
      }) : () -> ()
    }
    %scan3A_20 = arith.constant 24 : i32
    %run_scoped3A_21 = arith.constant 2 : i32
    "tpu.region"() ({
      %run_scoped3A_87 = tpu.sem_alloc : memref<!tpu.dma_semaphore, #tpu.memory_space<semaphore_mem>>
      %dma_start3A = arith.constant 0 : i32
      %dma_start3A_88 = tpu.memref_slice %arg3[%run_scoped3A_21, %dma_start3A] : memref<8x2048xi32, #tpu.memory_space<hbm>> -> memref<1x2048xi32, #tpu.memory_space<hbm>>
      %dma_start3A_89 = tpu.memref_squeeze %dma_start3A_88 : memref<1x2048xi32, #tpu.memory_space<hbm>> -> memref<2048xi32, #tpu.memory_space<hbm>>
      %dma_start3A_90 = arith.constant 0 : i32
      %dma_start3A_91 = tpu.memref_slice %arg3[%run_scoped3A_21, %dma_start3A_90] : memref<8x2048xi32, #tpu.memory_space<hbm>> -> memref<1x2048xi32, #tpu.memory_space<hbm>>
      %dma_start3A_92 = tpu.memref_squeeze %dma_start3A_91 : memref<1x2048xi32, #tpu.memory_space<hbm>> -> memref<2048xi32, #tpu.memory_space<hbm>>
      tpu.enqueue_dma source(%dma_start3A_92 : memref<2048xi32, #tpu.memory_space<hbm>>) target(%arg5 : memref<2048xi32, #tpu.memory_space<vmem>>) target_semaphore(%run_scoped3A_87 : memref<!tpu.dma_semaphore, #tpu.memory_space<semaphore_mem>>)
      %dma_wait3A = arith.constant 0 : i32
      %dma_wait3A_93 = tpu.memref_slice %arg3[%run_scoped3A_21, %dma_wait3A] : memref<8x2048xi32, #tpu.memory_space<hbm>> -> memref<1x2048xi32, #tpu.memory_space<hbm>>
      %dma_wait3A_94 = tpu.memref_squeeze %dma_wait3A_93 : memref<1x2048xi32, #tpu.memory_space<hbm>> -> memref<2048xi32, #tpu.memory_space<hbm>>
      %dma_wait3A_95 = arith.constant 0 : i32
      %dma_wait3A_96 = tpu.memref_slice %arg3[%run_scoped3A_21, %dma_wait3A_95] : memref<8x2048xi32, #tpu.memory_space<hbm>> -> memref<1x2048xi32, #tpu.memory_space<hbm>>
      %dma_wait3A_97 = tpu.memref_squeeze %dma_wait3A_96 : memref<1x2048xi32, #tpu.memory_space<hbm>> -> memref<2048xi32, #tpu.memory_space<hbm>>
      tpu.wait_dma2 semaphore(%run_scoped3A_87 : memref<!tpu.dma_semaphore, #tpu.memory_space<semaphore_mem>>) src(%dma_wait3A_97 : memref<2048xi32, #tpu.memory_space<hbm>>) dst(%arg5 : memref<2048xi32, #tpu.memory_space<vmem>>)
      tpu.yield
    }) : () -> ()
    %mul3A_22 = arith.constant 24 : i32
    %mul3A_23 = arith.muli %add3A, %mul3A_22 : i32
    %add3A_24 = arith.constant 1536 : i32
    %add3A_25 = arith.addi %add3A_24, %mul3A_23 : i32
    %scan3A_26 = arith.constant 0 : i32
    %scan3A_27 = arith.constant 0 : i32
    %scan3A_28 = arith.constant 24 : i32
    %scan3A_29 = arith.addi %scan3A_27, %scan3A_28 : i32
    %scan3A_30 = arith.constant 1 : i32
    scf.for %scan3A_87 = %scan3A_27 to %scan3A_29 step %scan3A_30  : i32 {
      %add3A_88 = arith.addi %add3A_25, %scan3A_87 : i32
      "tpu.region"() ({
        %run_scoped3A_95 = tpu.sem_alloc : memref<!tpu.dma_semaphore, #tpu.memory_space<semaphore_mem>>
        %dma_start3A = arith.constant 0 : i32
        %dma_start3A_96 = tpu.memref_slice %arg2[%add3A_88, %dma_start3A] : memref<6144x4096xf32, #tpu.memory_space<hbm>> -> memref<1x4096xf32, #tpu.memory_space<hbm>>
        %dma_start3A_97 = tpu.memref_squeeze %dma_start3A_96 : memref<1x4096xf32, #tpu.memory_space<hbm>> -> memref<4096xf32, #tpu.memory_space<hbm>>
        %dma_start3A_98 = arith.constant 0 : i32
        %dma_start3A_99 = tpu.memref_slice %arg2[%add3A_88, %dma_start3A_98] : memref<6144x4096xf32, #tpu.memory_space<hbm>> -> memref<1x4096xf32, #tpu.memory_space<hbm>>
        %dma_start3A_100 = tpu.memref_squeeze %dma_start3A_99 : memref<1x4096xf32, #tpu.memory_space<hbm>> -> memref<4096xf32, #tpu.memory_space<hbm>>
        tpu.enqueue_dma source(%dma_start3A_100 : memref<4096xf32, #tpu.memory_space<hbm>>) target(%arg6 : memref<4096xf32, #tpu.memory_space<vmem>>) target_semaphore(%run_scoped3A_95 : memref<!tpu.dma_semaphore, #tpu.memory_space<semaphore_mem>>)
        %dma_wait3A = arith.constant 0 : i32
        %dma_wait3A_101 = tpu.memref_slice %arg2[%add3A_88, %dma_wait3A] : memref<6144x4096xf32, #tpu.memory_space<hbm>> -> memref<1x4096xf32, #tpu.memory_space<hbm>>
        %dma_wait3A_102 = tpu.memref_squeeze %dma_wait3A_101 : memref<1x4096xf32, #tpu.memory_space<hbm>> -> memref<4096xf32, #tpu.memory_space<hbm>>
        %dma_wait3A_103 = arith.constant 0 : i32
        %dma_wait3A_104 = tpu.memref_slice %arg2[%add3A_88, %dma_wait3A_103] : memref<6144x4096xf32, #tpu.memory_space<hbm>> -> memref<1x4096xf32, #tpu.memory_space<hbm>>
        %dma_wait3A_105 = tpu.memref_squeeze %dma_wait3A_104 : memref<1x4096xf32, #tpu.memory_space<hbm>> -> memref<4096xf32, #tpu.memory_space<hbm>>
        tpu.wait_dma2 semaphore(%run_scoped3A_95 : memref<!tpu.dma_semaphore, #tpu.memory_space<semaphore_mem>>) src(%dma_wait3A_105 : memref<4096xf32, #tpu.memory_space<hbm>>) dst(%arg6 : memref<4096xf32, #tpu.memory_space<vmem>>)
        tpu.yield
      }) : () -> ()
      %scan3A_89 = arith.constant 0 : i32
      %scan3A_90 = arith.constant 0 : i32
      %scan3A_91 = arith.constant 128 : i32
      %scan3A_92 = arith.addi %scan3A_90, %scan3A_91 : i32
      %scan3A_93 = arith.constant 1 : i32
      scf.for %scan3A_95 = %scan3A_90 to %scan3A_92 step %scan3A_93  : i32 {
        %mul3A_96 = arith.constant 16 : i32
        %mul3A_97 = arith.muli %scan3A_95, %mul3A_96 : i32
        %get3A = arith.index_cast %mul3A_97 : i32 to index
        %get3A_98 = tpu.vector_load %arg5[%get3A] {strides = array<i32>} : memref<2048xi32, #tpu.memory_space<vmem>>, vector<16xi32>,
        %gather3A = tpu.vector_load_idx %arg6[%get3A_98] : memref<4096xf32, #tpu.memory_space<vmem>>[vector<16xi32>], vector<16xf32>,
        %mul3A_99 = arith.constant 16 : i32
        %mul3A_100 = arith.muli %scan3A_95, %mul3A_99 : i32
        %swap3A = arith.index_cast %mul3A_100 : i32 to index
        %swap3A_101 = tpu.vector_load %arg7[%swap3A] {strides = array<i32>} : memref<2048xf32, #tpu.memory_space<vmem>>, vector<16xf32>,
        tpu.vector_store %arg7[%swap3A], %gather3A {strides = array<i32>} : memref<2048xf32, #tpu.memory_space<vmem>>, vector<16xf32>,
      }
      %scan3A_94 = arith.constant 128 : i32
      "tpu.region"() ({
        %run_scoped3A_95 = tpu.sem_alloc : memref<!tpu.dma_semaphore, #tpu.memory_space<semaphore_mem>>
        %dma_start3A = arith.constant 0 : i32
        %dma_start3A_96 = tpu.memref_slice %arg4[%add3A_88, %dma_start3A] : memref<6144x2048xf32, #tpu.memory_space<hbm>> -> memref<1x2048xf32, #tpu.memory_space<hbm>>
        %dma_start3A_97 = tpu.memref_squeeze %dma_start3A_96 : memref<1x2048xf32, #tpu.memory_space<hbm>> -> memref<2048xf32, #tpu.memory_space<hbm>>
        %dma_start3A_98 = arith.constant 0 : i32
        %dma_start3A_99 = tpu.memref_slice %arg4[%add3A_88, %dma_start3A_98] : memref<6144x2048xf32, #tpu.memory_space<hbm>> -> memref<1x2048xf32, #tpu.memory_space<hbm>>
        %dma_start3A_100 = tpu.memref_squeeze %dma_start3A_99 : memref<1x2048xf32, #tpu.memory_space<hbm>> -> memref<2048xf32, #tpu.memory_space<hbm>>
        tpu.enqueue_dma source(%arg7 : memref<2048xf32, #tpu.memory_space<vmem>>) target(%dma_start3A_100 : memref<2048xf32, #tpu.memory_space<hbm>>) target_semaphore(%run_scoped3A_95 : memref<!tpu.dma_semaphore, #tpu.memory_space<semaphore_mem>>)
        %dma_wait3A = arith.constant 0 : i32
        %dma_wait3A_101 = tpu.memref_slice %arg4[%add3A_88, %dma_wait3A] : memref<6144x2048xf32, #tpu.memory_space<hbm>> -> memref<1x2048xf32, #tpu.memory_space<hbm>>
        %dma_wait3A_102 = tpu.memref_squeeze %dma_wait3A_101 : memref<1x2048xf32, #tpu.memory_space<hbm>> -> memref<2048xf32, #tpu.memory_space<hbm>>
        %dma_wait3A_103 = arith.constant 0 : i32
        %dma_wait3A_104 = tpu.memref_slice %arg4[%add3A_88, %dma_wait3A_103] : memref<6144x2048xf32, #tpu.memory_space<hbm>> -> memref<1x2048xf32, #tpu.memory_space<hbm>>
        %dma_wait3A_105 = tpu.memref_squeeze %dma_wait3A_104 : memref<1x2048xf32, #tpu.memory_space<hbm>> -> memref<2048xf32, #tpu.memory_space<hbm>>
        tpu.wait_dma2 semaphore(%run_scoped3A_95 : memref<!tpu.dma_semaphore, #tpu.memory_space<semaphore_mem>>) src(%arg7 : memref<2048xf32, #tpu.memory_space<vmem>>) dst(%dma_wait3A_105 : memref<2048xf32, #tpu.memory_space<hbm>>)
        tpu.yield
      }) : () -> ()
    }
    %scan3A_31 = arith.constant 24 : i32
    %run_scoped3A_32 = arith.constant 3 : i32
    "tpu.region"() ({
      %run_scoped3A_87 = tpu.sem_alloc : memref<!tpu.dma_semaphore, #tpu.memory_space<semaphore_mem>>
      %dma_start3A = arith.constant 0 : i32
      %dma_start3A_88 = tpu.memref_slice %arg3[%run_scoped3A_32, %dma_start3A] : memref<8x2048xi32, #tpu.memory_space<hbm>> -> memref<1x2048xi32, #tpu.memory_space<hbm>>
      %dma_start3A_89 = tpu.memref_squeeze %dma_start3A_88 : memref<1x2048xi32, #tpu.memory_space<hbm>> -> memref<2048xi32, #tpu.memory_space<hbm>>
      %dma_start3A_90 = arith.constant 0 : i32
      %dma_start3A_91 = tpu.memref_slice %arg3[%run_scoped3A_32, %dma_start3A_90] : memref<8x2048xi32, #tpu.memory_space<hbm>> -> memref<1x2048xi32, #tpu.memory_space<hbm>>
      %dma_start3A_92 = tpu.memref_squeeze %dma_start3A_91 : memref<1x2048xi32, #tpu.memory_space<hbm>> -> memref<2048xi32, #tpu.memory_space<hbm>>
      tpu.enqueue_dma source(%dma_start3A_92 : memref<2048xi32, #tpu.memory_space<hbm>>) target(%arg5 : memref<2048xi32, #tpu.memory_space<vmem>>) target_semaphore(%run_scoped3A_87 : memref<!tpu.dma_semaphore, #tpu.memory_space<semaphore_mem>>)
      %dma_wait3A = arith.constant 0 : i32
      %dma_wait3A_93 = tpu.memref_slice %arg3[%run_scoped3A_32, %dma_wait3A] : memref<8x2048xi32, #tpu.memory_space<hbm>> -> memref<1x2048xi32, #tpu.memory_space<hbm>>
      %dma_wait3A_94 = tpu.memref_squeeze %dma_wait3A_93 : memref<1x2048xi32, #tpu.memory_space<hbm>> -> memref<2048xi32, #tpu.memory_space<hbm>>
      %dma_wait3A_95 = arith.constant 0 : i32
      %dma_wait3A_96 = tpu.memref_slice %arg3[%run_scoped3A_32, %dma_wait3A_95] : memref<8x2048xi32, #tpu.memory_space<hbm>> -> memref<1x2048xi32, #tpu.memory_space<hbm>>
      %dma_wait3A_97 = tpu.memref_squeeze %dma_wait3A_96 : memref<1x2048xi32, #tpu.memory_space<hbm>> -> memref<2048xi32, #tpu.memory_space<hbm>>
      tpu.wait_dma2 semaphore(%run_scoped3A_87 : memref<!tpu.dma_semaphore, #tpu.memory_space<semaphore_mem>>) src(%dma_wait3A_97 : memref<2048xi32, #tpu.memory_space<hbm>>) dst(%arg5 : memref<2048xi32, #tpu.memory_space<vmem>>)
      tpu.yield
    }) : () -> ()
    %mul3A_33 = arith.constant 24 : i32
    %mul3A_34 = arith.muli %add3A, %mul3A_33 : i32
    %add3A_35 = arith.constant 2304 : i32
    %add3A_36 = arith.addi %add3A_35, %mul3A_34 : i32
    %scan3A_37 = arith.constant 0 : i32
    %scan3A_38 = arith.constant 0 : i32
    %scan3A_39 = arith.constant 24 : i32
    %scan3A_40 = arith.addi %scan3A_38, %scan3A_39 : i32
    %scan3A_41 = arith.constant 1 : i32
    scf.for %scan3A_87 = %scan3A_38 to %scan3A_40 step %scan3A_41  : i32 {
      %add3A_88 = arith.addi %add3A_36, %scan3A_87 : i32
      "tpu.region"() ({
        %run_scoped3A_95 = tpu.sem_alloc : memref<!tpu.dma_semaphore, #tpu.memory_space<semaphore_mem>>
        %dma_start3A = arith.constant 0 : i32
        %dma_start3A_96 = tpu.memref_slice %arg2[%add3A_88, %dma_start3A] : memref<6144x4096xf32, #tpu.memory_space<hbm>> -> memref<1x4096xf32, #tpu.memory_space<hbm>>
        %dma_start3A_97 = tpu.memref_squeeze %dma_start3A_96 : memref<1x4096xf32, #tpu.memory_space<hbm>> -> memref<4096xf32, #tpu.memory_space<hbm>>
        %dma_start3A_98 = arith.constant 0 : i32
        %dma_start3A_99 = tpu.memref_slice %arg2[%add3A_88, %dma_start3A_98] : memref<6144x4096xf32, #tpu.memory_space<hbm>> -> memref<1x4096xf32, #tpu.memory_space<hbm>>
        %dma_start3A_100 = tpu.memref_squeeze %dma_start3A_99 : memref<1x4096xf32, #tpu.memory_space<hbm>> -> memref<4096xf32, #tpu.memory_space<hbm>>
        tpu.enqueue_dma source(%dma_start3A_100 : memref<4096xf32, #tpu.memory_space<hbm>>) target(%arg6 : memref<4096xf32, #tpu.memory_space<vmem>>) target_semaphore(%run_scoped3A_95 : memref<!tpu.dma_semaphore, #tpu.memory_space<semaphore_mem>>)
        %dma_wait3A = arith.constant 0 : i32
        %dma_wait3A_101 = tpu.memref_slice %arg2[%add3A_88, %dma_wait3A] : memref<6144x4096xf32, #tpu.memory_space<hbm>> -> memref<1x4096xf32, #tpu.memory_space<hbm>>
        %dma_wait3A_102 = tpu.memref_squeeze %dma_wait3A_101 : memref<1x4096xf32, #tpu.memory_space<hbm>> -> memref<4096xf32, #tpu.memory_space<hbm>>
        %dma_wait3A_103 = arith.constant 0 : i32
        %dma_wait3A_104 = tpu.memref_slice %arg2[%add3A_88, %dma_wait3A_103] : memref<6144x4096xf32, #tpu.memory_space<hbm>> -> memref<1x4096xf32, #tpu.memory_space<hbm>>
        %dma_wait3A_105 = tpu.memref_squeeze %dma_wait3A_104 : memref<1x4096xf32, #tpu.memory_space<hbm>> -> memref<4096xf32, #tpu.memory_space<hbm>>
        tpu.wait_dma2 semaphore(%run_scoped3A_95 : memref<!tpu.dma_semaphore, #tpu.memory_space<semaphore_mem>>) src(%dma_wait3A_105 : memref<4096xf32, #tpu.memory_space<hbm>>) dst(%arg6 : memref<4096xf32, #tpu.memory_space<vmem>>)
        tpu.yield
      }) : () -> ()
      %scan3A_89 = arith.constant 0 : i32
      %scan3A_90 = arith.constant 0 : i32
      %scan3A_91 = arith.constant 128 : i32
      %scan3A_92 = arith.addi %scan3A_90, %scan3A_91 : i32
      %scan3A_93 = arith.constant 1 : i32
      scf.for %scan3A_95 = %scan3A_90 to %scan3A_92 step %scan3A_93  : i32 {
        %mul3A_96 = arith.constant 16 : i32
        %mul3A_97 = arith.muli %scan3A_95, %mul3A_96 : i32
        %get3A = arith.index_cast %mul3A_97 : i32 to index
        %get3A_98 = tpu.vector_load %arg5[%get3A] {strides = array<i32>} : memref<2048xi32, #tpu.memory_space<vmem>>, vector<16xi32>,
        %gather3A = tpu.vector_load_idx %arg6[%get3A_98] : memref<4096xf32, #tpu.memory_space<vmem>>[vector<16xi32>], vector<16xf32>,
        %mul3A_99 = arith.constant 16 : i32
        %mul3A_100 = arith.muli %scan3A_95, %mul3A_99 : i32
        %swap3A = arith.index_cast %mul3A_100 : i32 to index
        %swap3A_101 = tpu.vector_load %arg7[%swap3A] {strides = array<i32>} : memref<2048xf32, #tpu.memory_space<vmem>>, vector<16xf32>,
        tpu.vector_store %arg7[%swap3A], %gather3A {strides = array<i32>} : memref<2048xf32, #tpu.memory_space<vmem>>, vector<16xf32>,
      }
      %scan3A_94 = arith.constant 128 : i32
      "tpu.region"() ({
        %run_scoped3A_95 = tpu.sem_alloc : memref<!tpu.dma_semaphore, #tpu.memory_space<semaphore_mem>>
        %dma_start3A = arith.constant 0 : i32
        %dma_start3A_96 = tpu.memref_slice %arg4[%add3A_88, %dma_start3A] : memref<6144x2048xf32, #tpu.memory_space<hbm>> -> memref<1x2048xf32, #tpu.memory_space<hbm>>
        %dma_start3A_97 = tpu.memref_squeeze %dma_start3A_96 : memref<1x2048xf32, #tpu.memory_space<hbm>> -> memref<2048xf32, #tpu.memory_space<hbm>>
        %dma_start3A_98 = arith.constant 0 : i32
        %dma_start3A_99 = tpu.memref_slice %arg4[%add3A_88, %dma_start3A_98] : memref<6144x2048xf32, #tpu.memory_space<hbm>> -> memref<1x2048xf32, #tpu.memory_space<hbm>>
        %dma_start3A_100 = tpu.memref_squeeze %dma_start3A_99 : memref<1x2048xf32, #tpu.memory_space<hbm>> -> memref<2048xf32, #tpu.memory_space<hbm>>
        tpu.enqueue_dma source(%arg7 : memref<2048xf32, #tpu.memory_space<vmem>>) target(%dma_start3A_100 : memref<2048xf32, #tpu.memory_space<hbm>>) target_semaphore(%run_scoped3A_95 : memref<!tpu.dma_semaphore, #tpu.memory_space<semaphore_mem>>)
        %dma_wait3A = arith.constant 0 : i32
        %dma_wait3A_101 = tpu.memref_slice %arg4[%add3A_88, %dma_wait3A] : memref<6144x2048xf32, #tpu.memory_space<hbm>> -> memref<1x2048xf32, #tpu.memory_space<hbm>>
        %dma_wait3A_102 = tpu.memref_squeeze %dma_wait3A_101 : memref<1x2048xf32, #tpu.memory_space<hbm>> -> memref<2048xf32, #tpu.memory_space<hbm>>
        %dma_wait3A_103 = arith.constant 0 : i32
        %dma_wait3A_104 = tpu.memref_slice %arg4[%add3A_88, %dma_wait3A_103] : memref<6144x2048xf32, #tpu.memory_space<hbm>> -> memref<1x2048xf32, #tpu.memory_space<hbm>>
        %dma_wait3A_105 = tpu.memref_squeeze %dma_wait3A_104 : memref<1x2048xf32, #tpu.memory_space<hbm>> -> memref<2048xf32, #tpu.memory_space<hbm>>
        tpu.wait_dma2 semaphore(%run_scoped3A_95 : memref<!tpu.dma_semaphore, #tpu.memory_space<semaphore_mem>>) src(%arg7 : memref<2048xf32, #tpu.memory_space<vmem>>) dst(%dma_wait3A_105 : memref<2048xf32, #tpu.memory_space<hbm>>)
        tpu.yield
      }) : () -> ()
    }
    %scan3A_42 = arith.constant 24 : i32
    %run_scoped3A_43 = arith.constant 4 : i32
    "tpu.region"() ({
      %run_scoped3A_87 = tpu.sem_alloc : memref<!tpu.dma_semaphore, #tpu.memory_space<semaphore_mem>>
      %dma_start3A = arith.constant 0 : i32
      %dma_start3A_88 = tpu.memref_slice %arg3[%run_scoped3A_43, %dma_start3A] : memref<8x2048xi32, #tpu.memory_space<hbm>> -> memref<1x2048xi32, #tpu.memory_space<hbm>>
      %dma_start3A_89 = tpu.memref_squeeze %dma_start3A_88 : memref<1x2048xi32, #tpu.memory_space<hbm>> -> memref<2048xi32, #tpu.memory_space<hbm>>
      %dma_start3A_90 = arith.constant 0 : i32
      %dma_start3A_91 = tpu.memref_slice %arg3[%run_scoped3A_43, %dma_start3A_90] : memref<8x2048xi32, #tpu.memory_space<hbm>> -> memref<1x2048xi32, #tpu.memory_space<hbm>>
      %dma_start3A_92 = tpu.memref_squeeze %dma_start3A_91 : memref<1x2048xi32, #tpu.memory_space<hbm>> -> memref<2048xi32, #tpu.memory_space<hbm>>
      tpu.enqueue_dma source(%dma_start3A_92 : memref<2048xi32, #tpu.memory_space<hbm>>) target(%arg5 : memref<2048xi32, #tpu.memory_space<vmem>>) target_semaphore(%run_scoped3A_87 : memref<!tpu.dma_semaphore, #tpu.memory_space<semaphore_mem>>)
      %dma_wait3A = arith.constant 0 : i32
      %dma_wait3A_93 = tpu.memref_slice %arg3[%run_scoped3A_43, %dma_wait3A] : memref<8x2048xi32, #tpu.memory_space<hbm>> -> memref<1x2048xi32, #tpu.memory_space<hbm>>
      %dma_wait3A_94 = tpu.memref_squeeze %dma_wait3A_93 : memref<1x2048xi32, #tpu.memory_space<hbm>> -> memref<2048xi32, #tpu.memory_space<hbm>>
      %dma_wait3A_95 = arith.constant 0 : i32
      %dma_wait3A_96 = tpu.memref_slice %arg3[%run_scoped3A_43, %dma_wait3A_95] : memref<8x2048xi32, #tpu.memory_space<hbm>> -> memref<1x2048xi32, #tpu.memory_space<hbm>>
      %dma_wait3A_97 = tpu.memref_squeeze %dma_wait3A_96 : memref<1x2048xi32, #tpu.memory_space<hbm>> -> memref<2048xi32, #tpu.memory_space<hbm>>
      tpu.wait_dma2 semaphore(%run_scoped3A_87 : memref<!tpu.dma_semaphore, #tpu.memory_space<semaphore_mem>>) src(%dma_wait3A_97 : memref<2048xi32, #tpu.memory_space<hbm>>) dst(%arg5 : memref<2048xi32, #tpu.memory_space<vmem>>)
      tpu.yield
    }) : () -> ()
    %mul3A_44 = arith.constant 24 : i32
    %mul3A_45 = arith.muli %add3A, %mul3A_44 : i32
    %add3A_46 = arith.constant 3072 : i32
    %add3A_47 = arith.addi %add3A_46, %mul3A_45 : i32
    %scan3A_48 = arith.constant 0 : i32
    %scan3A_49 = arith.constant 0 : i32
    %scan3A_50 = arith.constant 24 : i32
    %scan3A_51 = arith.addi %scan3A_49, %scan3A_50 : i32
    %scan3A_52 = arith.constant 1 : i32
    scf.for %scan3A_87 = %scan3A_49 to %scan3A_51 step %scan3A_52  : i32 {
      %add3A_88 = arith.addi %add3A_47, %scan3A_87 : i32
      "tpu.region"() ({
        %run_scoped3A_95 = tpu.sem_alloc : memref<!tpu.dma_semaphore, #tpu.memory_space<semaphore_mem>>
        %dma_start3A = arith.constant 0 : i32
        %dma_start3A_96 = tpu.memref_slice %arg2[%add3A_88, %dma_start3A] : memref<6144x4096xf32, #tpu.memory_space<hbm>> -> memref<1x4096xf32, #tpu.memory_space<hbm>>
        %dma_start3A_97 = tpu.memref_squeeze %dma_start3A_96 : memref<1x4096xf32, #tpu.memory_space<hbm>> -> memref<4096xf32, #tpu.memory_space<hbm>>
        %dma_start3A_98 = arith.constant 0 : i32
        %dma_start3A_99 = tpu.memref_slice %arg2[%add3A_88, %dma_start3A_98] : memref<6144x4096xf32, #tpu.memory_space<hbm>> -> memref<1x4096xf32, #tpu.memory_space<hbm>>
        %dma_start3A_100 = tpu.memref_squeeze %dma_start3A_99 : memref<1x4096xf32, #tpu.memory_space<hbm>> -> memref<4096xf32, #tpu.memory_space<hbm>>
        tpu.enqueue_dma source(%dma_start3A_100 : memref<4096xf32, #tpu.memory_space<hbm>>) target(%arg6 : memref<4096xf32, #tpu.memory_space<vmem>>) target_semaphore(%run_scoped3A_95 : memref<!tpu.dma_semaphore, #tpu.memory_space<semaphore_mem>>)
        %dma_wait3A = arith.constant 0 : i32
        %dma_wait3A_101 = tpu.memref_slice %arg2[%add3A_88, %dma_wait3A] : memref<6144x4096xf32, #tpu.memory_space<hbm>> -> memref<1x4096xf32, #tpu.memory_space<hbm>>
        %dma_wait3A_102 = tpu.memref_squeeze %dma_wait3A_101 : memref<1x4096xf32, #tpu.memory_space<hbm>> -> memref<4096xf32, #tpu.memory_space<hbm>>
        %dma_wait3A_103 = arith.constant 0 : i32
        %dma_wait3A_104 = tpu.memref_slice %arg2[%add3A_88, %dma_wait3A_103] : memref<6144x4096xf32, #tpu.memory_space<hbm>> -> memref<1x4096xf32, #tpu.memory_space<hbm>>
        %dma_wait3A_105 = tpu.memref_squeeze %dma_wait3A_104 : memref<1x4096xf32, #tpu.memory_space<hbm>> -> memref<4096xf32, #tpu.memory_space<hbm>>
        tpu.wait_dma2 semaphore(%run_scoped3A_95 : memref<!tpu.dma_semaphore, #tpu.memory_space<semaphore_mem>>) src(%dma_wait3A_105 : memref<4096xf32, #tpu.memory_space<hbm>>) dst(%arg6 : memref<4096xf32, #tpu.memory_space<vmem>>)
        tpu.yield
      }) : () -> ()
      %scan3A_89 = arith.constant 0 : i32
      %scan3A_90 = arith.constant 0 : i32
      %scan3A_91 = arith.constant 128 : i32
      %scan3A_92 = arith.addi %scan3A_90, %scan3A_91 : i32
      %scan3A_93 = arith.constant 1 : i32
      scf.for %scan3A_95 = %scan3A_90 to %scan3A_92 step %scan3A_93  : i32 {
        %mul3A_96 = arith.constant 16 : i32
        %mul3A_97 = arith.muli %scan3A_95, %mul3A_96 : i32
        %get3A = arith.index_cast %mul3A_97 : i32 to index
        %get3A_98 = tpu.vector_load %arg5[%get3A] {strides = array<i32>} : memref<2048xi32, #tpu.memory_space<vmem>>, vector<16xi32>,
        %gather3A = tpu.vector_load_idx %arg6[%get3A_98] : memref<4096xf32, #tpu.memory_space<vmem>>[vector<16xi32>], vector<16xf32>,
        %mul3A_99 = arith.constant 16 : i32
        %mul3A_100 = arith.muli %scan3A_95, %mul3A_99 : i32
        %swap3A = arith.index_cast %mul3A_100 : i32 to index
        %swap3A_101 = tpu.vector_load %arg7[%swap3A] {strides = array<i32>} : memref<2048xf32, #tpu.memory_space<vmem>>, vector<16xf32>,
        tpu.vector_store %arg7[%swap3A], %gather3A {strides = array<i32>} : memref<2048xf32, #tpu.memory_space<vmem>>, vector<16xf32>,
      }
      %scan3A_94 = arith.constant 128 : i32
      "tpu.region"() ({
        %run_scoped3A_95 = tpu.sem_alloc : memref<!tpu.dma_semaphore, #tpu.memory_space<semaphore_mem>>
        %dma_start3A = arith.constant 0 : i32
        %dma_start3A_96 = tpu.memref_slice %arg4[%add3A_88, %dma_start3A] : memref<6144x2048xf32, #tpu.memory_space<hbm>> -> memref<1x2048xf32, #tpu.memory_space<hbm>>
        %dma_start3A_97 = tpu.memref_squeeze %dma_start3A_96 : memref<1x2048xf32, #tpu.memory_space<hbm>> -> memref<2048xf32, #tpu.memory_space<hbm>>
        %dma_start3A_98 = arith.constant 0 : i32
        %dma_start3A_99 = tpu.memref_slice %arg4[%add3A_88, %dma_start3A_98] : memref<6144x2048xf32, #tpu.memory_space<hbm>> -> memref<1x2048xf32, #tpu.memory_space<hbm>>
        %dma_start3A_100 = tpu.memref_squeeze %dma_start3A_99 : memref<1x2048xf32, #tpu.memory_space<hbm>> -> memref<2048xf32, #tpu.memory_space<hbm>>
        tpu.enqueue_dma source(%arg7 : memref<2048xf32, #tpu.memory_space<vmem>>) target(%dma_start3A_100 : memref<2048xf32, #tpu.memory_space<hbm>>) target_semaphore(%run_scoped3A_95 : memref<!tpu.dma_semaphore, #tpu.memory_space<semaphore_mem>>)
        %dma_wait3A = arith.constant 0 : i32
        %dma_wait3A_101 = tpu.memref_slice %arg4[%add3A_88, %dma_wait3A] : memref<6144x2048xf32, #tpu.memory_space<hbm>> -> memref<1x2048xf32, #tpu.memory_space<hbm>>
        %dma_wait3A_102 = tpu.memref_squeeze %dma_wait3A_101 : memref<1x2048xf32, #tpu.memory_space<hbm>> -> memref<2048xf32, #tpu.memory_space<hbm>>
        %dma_wait3A_103 = arith.constant 0 : i32
        %dma_wait3A_104 = tpu.memref_slice %arg4[%add3A_88, %dma_wait3A_103] : memref<6144x2048xf32, #tpu.memory_space<hbm>> -> memref<1x2048xf32, #tpu.memory_space<hbm>>
        %dma_wait3A_105 = tpu.memref_squeeze %dma_wait3A_104 : memref<1x2048xf32, #tpu.memory_space<hbm>> -> memref<2048xf32, #tpu.memory_space<hbm>>
        tpu.wait_dma2 semaphore(%run_scoped3A_95 : memref<!tpu.dma_semaphore, #tpu.memory_space<semaphore_mem>>) src(%arg7 : memref<2048xf32, #tpu.memory_space<vmem>>) dst(%dma_wait3A_105 : memref<2048xf32, #tpu.memory_space<hbm>>)
        tpu.yield
      }) : () -> ()
    }
    %scan3A_53 = arith.constant 24 : i32
    %run_scoped3A_54 = arith.constant 5 : i32
    "tpu.region"() ({
      %run_scoped3A_87 = tpu.sem_alloc : memref<!tpu.dma_semaphore, #tpu.memory_space<semaphore_mem>>
      %dma_start3A = arith.constant 0 : i32
      %dma_start3A_88 = tpu.memref_slice %arg3[%run_scoped3A_54, %dma_start3A] : memref<8x2048xi32, #tpu.memory_space<hbm>> -> memref<1x2048xi32, #tpu.memory_space<hbm>>
      %dma_start3A_89 = tpu.memref_squeeze %dma_start3A_88 : memref<1x2048xi32, #tpu.memory_space<hbm>> -> memref<2048xi32, #tpu.memory_space<hbm>>
      %dma_start3A_90 = arith.constant 0 : i32
      %dma_start3A_91 = tpu.memref_slice %arg3[%run_scoped3A_54, %dma_start3A_90] : memref<8x2048xi32, #tpu.memory_space<hbm>> -> memref<1x2048xi32, #tpu.memory_space<hbm>>
      %dma_start3A_92 = tpu.memref_squeeze %dma_start3A_91 : memref<1x2048xi32, #tpu.memory_space<hbm>> -> memref<2048xi32, #tpu.memory_space<hbm>>
      tpu.enqueue_dma source(%dma_start3A_92 : memref<2048xi32, #tpu.memory_space<hbm>>) target(%arg5 : memref<2048xi32, #tpu.memory_space<vmem>>) target_semaphore(%run_scoped3A_87 : memref<!tpu.dma_semaphore, #tpu.memory_space<semaphore_mem>>)
      %dma_wait3A = arith.constant 0 : i32
      %dma_wait3A_93 = tpu.memref_slice %arg3[%run_scoped3A_54, %dma_wait3A] : memref<8x2048xi32, #tpu.memory_space<hbm>> -> memref<1x2048xi32, #tpu.memory_space<hbm>>
      %dma_wait3A_94 = tpu.memref_squeeze %dma_wait3A_93 : memref<1x2048xi32, #tpu.memory_space<hbm>> -> memref<2048xi32, #tpu.memory_space<hbm>>
      %dma_wait3A_95 = arith.constant 0 : i32
      %dma_wait3A_96 = tpu.memref_slice %arg3[%run_scoped3A_54, %dma_wait3A_95] : memref<8x2048xi32, #tpu.memory_space<hbm>> -> memref<1x2048xi32, #tpu.memory_space<hbm>>
      %dma_wait3A_97 = tpu.memref_squeeze %dma_wait3A_96 : memref<1x2048xi32, #tpu.memory_space<hbm>> -> memref<2048xi32, #tpu.memory_space<hbm>>
      tpu.wait_dma2 semaphore(%run_scoped3A_87 : memref<!tpu.dma_semaphore, #tpu.memory_space<semaphore_mem>>) src(%dma_wait3A_97 : memref<2048xi32, #tpu.memory_space<hbm>>) dst(%arg5 : memref<2048xi32, #tpu.memory_space<vmem>>)
      tpu.yield
    }) : () -> ()
    %mul3A_55 = arith.constant 24 : i32
    %mul3A_56 = arith.muli %add3A, %mul3A_55 : i32
    %add3A_57 = arith.constant 3840 : i32
    %add3A_58 = arith.addi %add3A_57, %mul3A_56 : i32
    %scan3A_59 = arith.constant 0 : i32
    %scan3A_60 = arith.constant 0 : i32
    %scan3A_61 = arith.constant 24 : i32
    %scan3A_62 = arith.addi %scan3A_60, %scan3A_61 : i32
    %scan3A_63 = arith.constant 1 : i32
    scf.for %scan3A_87 = %scan3A_60 to %scan3A_62 step %scan3A_63  : i32 {
      %add3A_88 = arith.addi %add3A_58, %scan3A_87 : i32
      "tpu.region"() ({
        %run_scoped3A_95 = tpu.sem_alloc : memref<!tpu.dma_semaphore, #tpu.memory_space<semaphore_mem>>
        %dma_start3A = arith.constant 0 : i32
        %dma_start3A_96 = tpu.memref_slice %arg2[%add3A_88, %dma_start3A] : memref<6144x4096xf32, #tpu.memory_space<hbm>> -> memref<1x4096xf32, #tpu.memory_space<hbm>>
        %dma_start3A_97 = tpu.memref_squeeze %dma_start3A_96 : memref<1x4096xf32, #tpu.memory_space<hbm>> -> memref<4096xf32, #tpu.memory_space<hbm>>
        %dma_start3A_98 = arith.constant 0 : i32
        %dma_start3A_99 = tpu.memref_slice %arg2[%add3A_88, %dma_start3A_98] : memref<6144x4096xf32, #tpu.memory_space<hbm>> -> memref<1x4096xf32, #tpu.memory_space<hbm>>
        %dma_start3A_100 = tpu.memref_squeeze %dma_start3A_99 : memref<1x4096xf32, #tpu.memory_space<hbm>> -> memref<4096xf32, #tpu.memory_space<hbm>>
        tpu.enqueue_dma source(%dma_start3A_100 : memref<4096xf32, #tpu.memory_space<hbm>>) target(%arg6 : memref<4096xf32, #tpu.memory_space<vmem>>) target_semaphore(%run_scoped3A_95 : memref<!tpu.dma_semaphore, #tpu.memory_space<semaphore_mem>>)
        %dma_wait3A = arith.constant 0 : i32
        %dma_wait3A_101 = tpu.memref_slice %arg2[%add3A_88, %dma_wait3A] : memref<6144x4096xf32, #tpu.memory_space<hbm>> -> memref<1x4096xf32, #tpu.memory_space<hbm>>
        %dma_wait3A_102 = tpu.memref_squeeze %dma_wait3A_101 : memref<1x4096xf32, #tpu.memory_space<hbm>> -> memref<4096xf32, #tpu.memory_space<hbm>>
        %dma_wait3A_103 = arith.constant 0 : i32
        %dma_wait3A_104 = tpu.memref_slice %arg2[%add3A_88, %dma_wait3A_103] : memref<6144x4096xf32, #tpu.memory_space<hbm>> -> memref<1x4096xf32, #tpu.memory_space<hbm>>
        %dma_wait3A_105 = tpu.memref_squeeze %dma_wait3A_104 : memref<1x4096xf32, #tpu.memory_space<hbm>> -> memref<4096xf32, #tpu.memory_space<hbm>>
        tpu.wait_dma2 semaphore(%run_scoped3A_95 : memref<!tpu.dma_semaphore, #tpu.memory_space<semaphore_mem>>) src(%dma_wait3A_105 : memref<4096xf32, #tpu.memory_space<hbm>>) dst(%arg6 : memref<4096xf32, #tpu.memory_space<vmem>>)
        tpu.yield
      }) : () -> ()
      %scan3A_89 = arith.constant 0 : i32
      %scan3A_90 = arith.constant 0 : i32
      %scan3A_91 = arith.constant 128 : i32
      %scan3A_92 = arith.addi %scan3A_90, %scan3A_91 : i32
      %scan3A_93 = arith.constant 1 : i32
      scf.for %scan3A_95 = %scan3A_90 to %scan3A_92 step %scan3A_93  : i32 {
        %mul3A_96 = arith.constant 16 : i32
        %mul3A_97 = arith.muli %scan3A_95, %mul3A_96 : i32
        %get3A = arith.index_cast %mul3A_97 : i32 to index
        %get3A_98 = tpu.vector_load %arg5[%get3A] {strides = array<i32>} : memref<2048xi32, #tpu.memory_space<vmem>>, vector<16xi32>,
        %gather3A = tpu.vector_load_idx %arg6[%get3A_98] : memref<4096xf32, #tpu.memory_space<vmem>>[vector<16xi32>], vector<16xf32>,
        %mul3A_99 = arith.constant 16 : i32
        %mul3A_100 = arith.muli %scan3A_95, %mul3A_99 : i32
        %swap3A = arith.index_cast %mul3A_100 : i32 to index
        %swap3A_101 = tpu.vector_load %arg7[%swap3A] {strides = array<i32>} : memref<2048xf32, #tpu.memory_space<vmem>>, vector<16xf32>,
        tpu.vector_store %arg7[%swap3A], %gather3A {strides = array<i32>} : memref<2048xf32, #tpu.memory_space<vmem>>, vector<16xf32>,
      }
      %scan3A_94 = arith.constant 128 : i32
      "tpu.region"() ({
        %run_scoped3A_95 = tpu.sem_alloc : memref<!tpu.dma_semaphore, #tpu.memory_space<semaphore_mem>>
        %dma_start3A = arith.constant 0 : i32
        %dma_start3A_96 = tpu.memref_slice %arg4[%add3A_88, %dma_start3A] : memref<6144x2048xf32, #tpu.memory_space<hbm>> -> memref<1x2048xf32, #tpu.memory_space<hbm>>
        %dma_start3A_97 = tpu.memref_squeeze %dma_start3A_96 : memref<1x2048xf32, #tpu.memory_space<hbm>> -> memref<2048xf32, #tpu.memory_space<hbm>>
        %dma_start3A_98 = arith.constant 0 : i32
        %dma_start3A_99 = tpu.memref_slice %arg4[%add3A_88, %dma_start3A_98] : memref<6144x2048xf32, #tpu.memory_space<hbm>> -> memref<1x2048xf32, #tpu.memory_space<hbm>>
        %dma_start3A_100 = tpu.memref_squeeze %dma_start3A_99 : memref<1x2048xf32, #tpu.memory_space<hbm>> -> memref<2048xf32, #tpu.memory_space<hbm>>
        tpu.enqueue_dma source(%arg7 : memref<2048xf32, #tpu.memory_space<vmem>>) target(%dma_start3A_100 : memref<2048xf32, #tpu.memory_space<hbm>>) target_semaphore(%run_scoped3A_95 : memref<!tpu.dma_semaphore, #tpu.memory_space<semaphore_mem>>)
        %dma_wait3A = arith.constant 0 : i32
        %dma_wait3A_101 = tpu.memref_slice %arg4[%add3A_88, %dma_wait3A] : memref<6144x2048xf32, #tpu.memory_space<hbm>> -> memref<1x2048xf32, #tpu.memory_space<hbm>>
        %dma_wait3A_102 = tpu.memref_squeeze %dma_wait3A_101 : memref<1x2048xf32, #tpu.memory_space<hbm>> -> memref<2048xf32, #tpu.memory_space<hbm>>
        %dma_wait3A_103 = arith.constant 0 : i32
        %dma_wait3A_104 = tpu.memref_slice %arg4[%add3A_88, %dma_wait3A_103] : memref<6144x2048xf32, #tpu.memory_space<hbm>> -> memref<1x2048xf32, #tpu.memory_space<hbm>>
        %dma_wait3A_105 = tpu.memref_squeeze %dma_wait3A_104 : memref<1x2048xf32, #tpu.memory_space<hbm>> -> memref<2048xf32, #tpu.memory_space<hbm>>
        tpu.wait_dma2 semaphore(%run_scoped3A_95 : memref<!tpu.dma_semaphore, #tpu.memory_space<semaphore_mem>>) src(%arg7 : memref<2048xf32, #tpu.memory_space<vmem>>) dst(%dma_wait3A_105 : memref<2048xf32, #tpu.memory_space<hbm>>)
        tpu.yield
      }) : () -> ()
    }
    %scan3A_64 = arith.constant 24 : i32
    %run_scoped3A_65 = arith.constant 6 : i32
    "tpu.region"() ({
      %run_scoped3A_87 = tpu.sem_alloc : memref<!tpu.dma_semaphore, #tpu.memory_space<semaphore_mem>>
      %dma_start3A = arith.constant 0 : i32
      %dma_start3A_88 = tpu.memref_slice %arg3[%run_scoped3A_65, %dma_start3A] : memref<8x2048xi32, #tpu.memory_space<hbm>> -> memref<1x2048xi32, #tpu.memory_space<hbm>>
      %dma_start3A_89 = tpu.memref_squeeze %dma_start3A_88 : memref<1x2048xi32, #tpu.memory_space<hbm>> -> memref<2048xi32, #tpu.memory_space<hbm>>
      %dma_start3A_90 = arith.constant 0 : i32
      %dma_start3A_91 = tpu.memref_slice %arg3[%run_scoped3A_65, %dma_start3A_90] : memref<8x2048xi32, #tpu.memory_space<hbm>> -> memref<1x2048xi32, #tpu.memory_space<hbm>>
      %dma_start3A_92 = tpu.memref_squeeze %dma_start3A_91 : memref<1x2048xi32, #tpu.memory_space<hbm>> -> memref<2048xi32, #tpu.memory_space<hbm>>
      tpu.enqueue_dma source(%dma_start3A_92 : memref<2048xi32, #tpu.memory_space<hbm>>) target(%arg5 : memref<2048xi32, #tpu.memory_space<vmem>>) target_semaphore(%run_scoped3A_87 : memref<!tpu.dma_semaphore, #tpu.memory_space<semaphore_mem>>)
      %dma_wait3A = arith.constant 0 : i32
      %dma_wait3A_93 = tpu.memref_slice %arg3[%run_scoped3A_65, %dma_wait3A] : memref<8x2048xi32, #tpu.memory_space<hbm>> -> memref<1x2048xi32, #tpu.memory_space<hbm>>
      %dma_wait3A_94 = tpu.memref_squeeze %dma_wait3A_93 : memref<1x2048xi32, #tpu.memory_space<hbm>> -> memref<2048xi32, #tpu.memory_space<hbm>>
      %dma_wait3A_95 = arith.constant 0 : i32
      %dma_wait3A_96 = tpu.memref_slice %arg3[%run_scoped3A_65, %dma_wait3A_95] : memref<8x2048xi32, #tpu.memory_space<hbm>> -> memref<1x2048xi32, #tpu.memory_space<hbm>>
      %dma_wait3A_97 = tpu.memref_squeeze %dma_wait3A_96 : memref<1x2048xi32, #tpu.memory_space<hbm>> -> memref<2048xi32, #tpu.memory_space<hbm>>
      tpu.wait_dma2 semaphore(%run_scoped3A_87 : memref<!tpu.dma_semaphore, #tpu.memory_space<semaphore_mem>>) src(%dma_wait3A_97 : memref<2048xi32, #tpu.memory_space<hbm>>) dst(%arg5 : memref<2048xi32, #tpu.memory_space<vmem>>)
      tpu.yield
    }) : () -> ()
    %mul3A_66 = arith.constant 24 : i32
    %mul3A_67 = arith.muli %add3A, %mul3A_66 : i32
    %add3A_68 = arith.constant 4608 : i32
    %add3A_69 = arith.addi %add3A_68, %mul3A_67 : i32
    %scan3A_70 = arith.constant 0 : i32
    %scan3A_71 = arith.constant 0 : i32
    %scan3A_72 = arith.constant 24 : i32
    %scan3A_73 = arith.addi %scan3A_71, %scan3A_72 : i32
    %scan3A_74 = arith.constant 1 : i32
    scf.for %scan3A_87 = %scan3A_71 to %scan3A_73 step %scan3A_74  : i32 {
      %add3A_88 = arith.addi %add3A_69, %scan3A_87 : i32
      "tpu.region"() ({
        %run_scoped3A_95 = tpu.sem_alloc : memref<!tpu.dma_semaphore, #tpu.memory_space<semaphore_mem>>
        %dma_start3A = arith.constant 0 : i32
        %dma_start3A_96 = tpu.memref_slice %arg2[%add3A_88, %dma_start3A] : memref<6144x4096xf32, #tpu.memory_space<hbm>> -> memref<1x4096xf32, #tpu.memory_space<hbm>>
        %dma_start3A_97 = tpu.memref_squeeze %dma_start3A_96 : memref<1x4096xf32, #tpu.memory_space<hbm>> -> memref<4096xf32, #tpu.memory_space<hbm>>
        %dma_start3A_98 = arith.constant 0 : i32
        %dma_start3A_99 = tpu.memref_slice %arg2[%add3A_88, %dma_start3A_98] : memref<6144x4096xf32, #tpu.memory_space<hbm>> -> memref<1x4096xf32, #tpu.memory_space<hbm>>
        %dma_start3A_100 = tpu.memref_squeeze %dma_start3A_99 : memref<1x4096xf32, #tpu.memory_space<hbm>> -> memref<4096xf32, #tpu.memory_space<hbm>>
        tpu.enqueue_dma source(%dma_start3A_100 : memref<4096xf32, #tpu.memory_space<hbm>>) target(%arg6 : memref<4096xf32, #tpu.memory_space<vmem>>) target_semaphore(%run_scoped3A_95 : memref<!tpu.dma_semaphore, #tpu.memory_space<semaphore_mem>>)
        %dma_wait3A = arith.constant 0 : i32
        %dma_wait3A_101 = tpu.memref_slice %arg2[%add3A_88, %dma_wait3A] : memref<6144x4096xf32, #tpu.memory_space<hbm>> -> memref<1x4096xf32, #tpu.memory_space<hbm>>
        %dma_wait3A_102 = tpu.memref_squeeze %dma_wait3A_101 : memref<1x4096xf32, #tpu.memory_space<hbm>> -> memref<4096xf32, #tpu.memory_space<hbm>>
        %dma_wait3A_103 = arith.constant 0 : i32
        %dma_wait3A_104 = tpu.memref_slice %arg2[%add3A_88, %dma_wait3A_103] : memref<6144x4096xf32, #tpu.memory_space<hbm>> -> memref<1x4096xf32, #tpu.memory_space<hbm>>
        %dma_wait3A_105 = tpu.memref_squeeze %dma_wait3A_104 : memref<1x4096xf32, #tpu.memory_space<hbm>> -> memref<4096xf32, #tpu.memory_space<hbm>>
        tpu.wait_dma2 semaphore(%run_scoped3A_95 : memref<!tpu.dma_semaphore, #tpu.memory_space<semaphore_mem>>) src(%dma_wait3A_105 : memref<4096xf32, #tpu.memory_space<hbm>>) dst(%arg6 : memref<4096xf32, #tpu.memory_space<vmem>>)
        tpu.yield
      }) : () -> ()
      %scan3A_89 = arith.constant 0 : i32
      %scan3A_90 = arith.constant 0 : i32
      %scan3A_91 = arith.constant 128 : i32
      %scan3A_92 = arith.addi %scan3A_90, %scan3A_91 : i32
      %scan3A_93 = arith.constant 1 : i32
      scf.for %scan3A_95 = %scan3A_90 to %scan3A_92 step %scan3A_93  : i32 {
        %mul3A_96 = arith.constant 16 : i32
        %mul3A_97 = arith.muli %scan3A_95, %mul3A_96 : i32
        %get3A = arith.index_cast %mul3A_97 : i32 to index
        %get3A_98 = tpu.vector_load %arg5[%get3A] {strides = array<i32>} : memref<2048xi32, #tpu.memory_space<vmem>>, vector<16xi32>,
        %gather3A = tpu.vector_load_idx %arg6[%get3A_98] : memref<4096xf32, #tpu.memory_space<vmem>>[vector<16xi32>], vector<16xf32>,
        %mul3A_99 = arith.constant 16 : i32
        %mul3A_100 = arith.muli %scan3A_95, %mul3A_99 : i32
        %swap3A = arith.index_cast %mul3A_100 : i32 to index
        %swap3A_101 = tpu.vector_load %arg7[%swap3A] {strides = array<i32>} : memref<2048xf32, #tpu.memory_space<vmem>>, vector<16xf32>,
        tpu.vector_store %arg7[%swap3A], %gather3A {strides = array<i32>} : memref<2048xf32, #tpu.memory_space<vmem>>, vector<16xf32>,
      }
      %scan3A_94 = arith.constant 128 : i32
      "tpu.region"() ({
        %run_scoped3A_95 = tpu.sem_alloc : memref<!tpu.dma_semaphore, #tpu.memory_space<semaphore_mem>>
        %dma_start3A = arith.constant 0 : i32
        %dma_start3A_96 = tpu.memref_slice %arg4[%add3A_88, %dma_start3A] : memref<6144x2048xf32, #tpu.memory_space<hbm>> -> memref<1x2048xf32, #tpu.memory_space<hbm>>
        %dma_start3A_97 = tpu.memref_squeeze %dma_start3A_96 : memref<1x2048xf32, #tpu.memory_space<hbm>> -> memref<2048xf32, #tpu.memory_space<hbm>>
        %dma_start3A_98 = arith.constant 0 : i32
        %dma_start3A_99 = tpu.memref_slice %arg4[%add3A_88, %dma_start3A_98] : memref<6144x2048xf32, #tpu.memory_space<hbm>> -> memref<1x2048xf32, #tpu.memory_space<hbm>>
        %dma_start3A_100 = tpu.memref_squeeze %dma_start3A_99 : memref<1x2048xf32, #tpu.memory_space<hbm>> -> memref<2048xf32, #tpu.memory_space<hbm>>
        tpu.enqueue_dma source(%arg7 : memref<2048xf32, #tpu.memory_space<vmem>>) target(%dma_start3A_100 : memref<2048xf32, #tpu.memory_space<hbm>>) target_semaphore(%run_scoped3A_95 : memref<!tpu.dma_semaphore, #tpu.memory_space<semaphore_mem>>)
        %dma_wait3A = arith.constant 0 : i32
        %dma_wait3A_101 = tpu.memref_slice %arg4[%add3A_88, %dma_wait3A] : memref<6144x2048xf32, #tpu.memory_space<hbm>> -> memref<1x2048xf32, #tpu.memory_space<hbm>>
        %dma_wait3A_102 = tpu.memref_squeeze %dma_wait3A_101 : memref<1x2048xf32, #tpu.memory_space<hbm>> -> memref<2048xf32, #tpu.memory_space<hbm>>
        %dma_wait3A_103 = arith.constant 0 : i32
        %dma_wait3A_104 = tpu.memref_slice %arg4[%add3A_88, %dma_wait3A_103] : memref<6144x2048xf32, #tpu.memory_space<hbm>> -> memref<1x2048xf32, #tpu.memory_space<hbm>>
        %dma_wait3A_105 = tpu.memref_squeeze %dma_wait3A_104 : memref<1x2048xf32, #tpu.memory_space<hbm>> -> memref<2048xf32, #tpu.memory_space<hbm>>
        tpu.wait_dma2 semaphore(%run_scoped3A_95 : memref<!tpu.dma_semaphore, #tpu.memory_space<semaphore_mem>>) src(%arg7 : memref<2048xf32, #tpu.memory_space<vmem>>) dst(%dma_wait3A_105 : memref<2048xf32, #tpu.memory_space<hbm>>)
        tpu.yield
      }) : () -> ()
    }
    %scan3A_75 = arith.constant 24 : i32
    %run_scoped3A_76 = arith.constant 7 : i32
    "tpu.region"() ({
      %run_scoped3A_87 = tpu.sem_alloc : memref<!tpu.dma_semaphore, #tpu.memory_space<semaphore_mem>>
      %dma_start3A = arith.constant 0 : i32
      %dma_start3A_88 = tpu.memref_slice %arg3[%run_scoped3A_76, %dma_start3A] : memref<8x2048xi32, #tpu.memory_space<hbm>> -> memref<1x2048xi32, #tpu.memory_space<hbm>>
      %dma_start3A_89 = tpu.memref_squeeze %dma_start3A_88 : memref<1x2048xi32, #tpu.memory_space<hbm>> -> memref<2048xi32, #tpu.memory_space<hbm>>
      %dma_start3A_90 = arith.constant 0 : i32
      %dma_start3A_91 = tpu.memref_slice %arg3[%run_scoped3A_76, %dma_start3A_90] : memref<8x2048xi32, #tpu.memory_space<hbm>> -> memref<1x2048xi32, #tpu.memory_space<hbm>>
      %dma_start3A_92 = tpu.memref_squeeze %dma_start3A_91 : memref<1x2048xi32, #tpu.memory_space<hbm>> -> memref<2048xi32, #tpu.memory_space<hbm>>
      tpu.enqueue_dma source(%dma_start3A_92 : memref<2048xi32, #tpu.memory_space<hbm>>) target(%arg5 : memref<2048xi32, #tpu.memory_space<vmem>>) target_semaphore(%run_scoped3A_87 : memref<!tpu.dma_semaphore, #tpu.memory_space<semaphore_mem>>)
      %dma_wait3A = arith.constant 0 : i32
      %dma_wait3A_93 = tpu.memref_slice %arg3[%run_scoped3A_76, %dma_wait3A] : memref<8x2048xi32, #tpu.memory_space<hbm>> -> memref<1x2048xi32, #tpu.memory_space<hbm>>
      %dma_wait3A_94 = tpu.memref_squeeze %dma_wait3A_93 : memref<1x2048xi32, #tpu.memory_space<hbm>> -> memref<2048xi32, #tpu.memory_space<hbm>>
      %dma_wait3A_95 = arith.constant 0 : i32
      %dma_wait3A_96 = tpu.memref_slice %arg3[%run_scoped3A_76, %dma_wait3A_95] : memref<8x2048xi32, #tpu.memory_space<hbm>> -> memref<1x2048xi32, #tpu.memory_space<hbm>>
      %dma_wait3A_97 = tpu.memref_squeeze %dma_wait3A_96 : memref<1x2048xi32, #tpu.memory_space<hbm>> -> memref<2048xi32, #tpu.memory_space<hbm>>
      tpu.wait_dma2 semaphore(%run_scoped3A_87 : memref<!tpu.dma_semaphore, #tpu.memory_space<semaphore_mem>>) src(%dma_wait3A_97 : memref<2048xi32, #tpu.memory_space<hbm>>) dst(%arg5 : memref<2048xi32, #tpu.memory_space<vmem>>)
      tpu.yield
    }) : () -> ()
    %mul3A_77 = arith.constant 24 : i32
    %mul3A_78 = arith.muli %add3A, %mul3A_77 : i32
    %add3A_79 = arith.constant 5376 : i32
    %add3A_80 = arith.addi %add3A_79, %mul3A_78 : i32
    %scan3A_81 = arith.constant 0 : i32
    %scan3A_82 = arith.constant 0 : i32
    %scan3A_83 = arith.constant 24 : i32
    %scan3A_84 = arith.addi %scan3A_82, %scan3A_83 : i32
    %scan3A_85 = arith.constant 1 : i32
    scf.for %scan3A_87 = %scan3A_82 to %scan3A_84 step %scan3A_85  : i32 {
      %add3A_88 = arith.addi %add3A_80, %scan3A_87 : i32
      "tpu.region"() ({
        %run_scoped3A_95 = tpu.sem_alloc : memref<!tpu.dma_semaphore, #tpu.memory_space<semaphore_mem>>
        %dma_start3A = arith.constant 0 : i32
        %dma_start3A_96 = tpu.memref_slice %arg2[%add3A_88, %dma_start3A] : memref<6144x4096xf32, #tpu.memory_space<hbm>> -> memref<1x4096xf32, #tpu.memory_space<hbm>>
        %dma_start3A_97 = tpu.memref_squeeze %dma_start3A_96 : memref<1x4096xf32, #tpu.memory_space<hbm>> -> memref<4096xf32, #tpu.memory_space<hbm>>
        %dma_start3A_98 = arith.constant 0 : i32
        %dma_start3A_99 = tpu.memref_slice %arg2[%add3A_88, %dma_start3A_98] : memref<6144x4096xf32, #tpu.memory_space<hbm>> -> memref<1x4096xf32, #tpu.memory_space<hbm>>
        %dma_start3A_100 = tpu.memref_squeeze %dma_start3A_99 : memref<1x4096xf32, #tpu.memory_space<hbm>> -> memref<4096xf32, #tpu.memory_space<hbm>>
        tpu.enqueue_dma source(%dma_start3A_100 : memref<4096xf32, #tpu.memory_space<hbm>>) target(%arg6 : memref<4096xf32, #tpu.memory_space<vmem>>) target_semaphore(%run_scoped3A_95 : memref<!tpu.dma_semaphore, #tpu.memory_space<semaphore_mem>>)
        %dma_wait3A = arith.constant 0 : i32
        %dma_wait3A_101 = tpu.memref_slice %arg2[%add3A_88, %dma_wait3A] : memref<6144x4096xf32, #tpu.memory_space<hbm>> -> memref<1x4096xf32, #tpu.memory_space<hbm>>
        %dma_wait3A_102 = tpu.memref_squeeze %dma_wait3A_101 : memref<1x4096xf32, #tpu.memory_space<hbm>> -> memref<4096xf32, #tpu.memory_space<hbm>>
        %dma_wait3A_103 = arith.constant 0 : i32
        %dma_wait3A_104 = tpu.memref_slice %arg2[%add3A_88, %dma_wait3A_103] : memref<6144x4096xf32, #tpu.memory_space<hbm>> -> memref<1x4096xf32, #tpu.memory_space<hbm>>
        %dma_wait3A_105 = tpu.memref_squeeze %dma_wait3A_104 : memref<1x4096xf32, #tpu.memory_space<hbm>> -> memref<4096xf32, #tpu.memory_space<hbm>>
        tpu.wait_dma2 semaphore(%run_scoped3A_95 : memref<!tpu.dma_semaphore, #tpu.memory_space<semaphore_mem>>) src(%dma_wait3A_105 : memref<4096xf32, #tpu.memory_space<hbm>>) dst(%arg6 : memref<4096xf32, #tpu.memory_space<vmem>>)
        tpu.yield
      }) : () -> ()
      %scan3A_89 = arith.constant 0 : i32
      %scan3A_90 = arith.constant 0 : i32
      %scan3A_91 = arith.constant 128 : i32
      %scan3A_92 = arith.addi %scan3A_90, %scan3A_91 : i32
      %scan3A_93 = arith.constant 1 : i32
      scf.for %scan3A_95 = %scan3A_90 to %scan3A_92 step %scan3A_93  : i32 {
        %mul3A_96 = arith.constant 16 : i32
        %mul3A_97 = arith.muli %scan3A_95, %mul3A_96 : i32
        %get3A = arith.index_cast %mul3A_97 : i32 to index
        %get3A_98 = tpu.vector_load %arg5[%get3A] {strides = array<i32>} : memref<2048xi32, #tpu.memory_space<vmem>>, vector<16xi32>,
        %gather3A = tpu.vector_load_idx %arg6[%get3A_98] : memref<4096xf32, #tpu.memory_space<vmem>>[vector<16xi32>], vector<16xf32>,
        %mul3A_99 = arith.constant 16 : i32
        %mul3A_100 = arith.muli %scan3A_95, %mul3A_99 : i32
        %swap3A = arith.index_cast %mul3A_100 : i32 to index
        %swap3A_101 = tpu.vector_load %arg7[%swap3A] {strides = array<i32>} : memref<2048xf32, #tpu.memory_space<vmem>>, vector<16xf32>,
        tpu.vector_store %arg7[%swap3A], %gather3A {strides = array<i32>} : memref<2048xf32, #tpu.memory_space<vmem>>, vector<16xf32>,
      }
      %scan3A_94 = arith.constant 128 : i32
      "tpu.region"() ({
        %run_scoped3A_95 = tpu.sem_alloc : memref<!tpu.dma_semaphore, #tpu.memory_space<semaphore_mem>>
        %dma_start3A = arith.constant 0 : i32
        %dma_start3A_96 = tpu.memref_slice %arg4[%add3A_88, %dma_start3A] : memref<6144x2048xf32, #tpu.memory_space<hbm>> -> memref<1x2048xf32, #tpu.memory_space<hbm>>
        %dma_start3A_97 = tpu.memref_squeeze %dma_start3A_96 : memref<1x2048xf32, #tpu.memory_space<hbm>> -> memref<2048xf32, #tpu.memory_space<hbm>>
        %dma_start3A_98 = arith.constant 0 : i32
        %dma_start3A_99 = tpu.memref_slice %arg4[%add3A_88, %dma_start3A_98] : memref<6144x2048xf32, #tpu.memory_space<hbm>> -> memref<1x2048xf32, #tpu.memory_space<hbm>>
        %dma_start3A_100 = tpu.memref_squeeze %dma_start3A_99 : memref<1x2048xf32, #tpu.memory_space<hbm>> -> memref<2048xf32, #tpu.memory_space<hbm>>
        tpu.enqueue_dma source(%arg7 : memref<2048xf32, #tpu.memory_space<vmem>>) target(%dma_start3A_100 : memref<2048xf32, #tpu.memory_space<hbm>>) target_semaphore(%run_scoped3A_95 : memref<!tpu.dma_semaphore, #tpu.memory_space<semaphore_mem>>)
        %dma_wait3A = arith.constant 0 : i32
        %dma_wait3A_101 = tpu.memref_slice %arg4[%add3A_88, %dma_wait3A] : memref<6144x2048xf32, #tpu.memory_space<hbm>> -> memref<1x2048xf32, #tpu.memory_space<hbm>>
        %dma_wait3A_102 = tpu.memref_squeeze %dma_wait3A_101 : memref<1x2048xf32, #tpu.memory_space<hbm>> -> memref<2048xf32, #tpu.memory_space<hbm>>
        %dma_wait3A_103 = arith.constant 0 : i32
        %dma_wait3A_104 = tpu.memref_slice %arg4[%add3A_88, %dma_wait3A_103] : memref<6144x2048xf32, #tpu.memory_space<hbm>> -> memref<1x2048xf32, #tpu.memory_space<hbm>>
        %dma_wait3A_105 = tpu.memref_squeeze %dma_wait3A_104 : memref<1x2048xf32, #tpu.memory_space<hbm>> -> memref<2048xf32, #tpu.memory_space<hbm>>
        tpu.wait_dma2 semaphore(%run_scoped3A_95 : memref<!tpu.dma_semaphore, #tpu.memory_space<semaphore_mem>>) src(%arg7 : memref<2048xf32, #tpu.memory_space<vmem>>) dst(%dma_wait3A_105 : memref<2048xf32, #tpu.memory_space<hbm>>)
        tpu.yield
      }) : () -> ()
    }
    %scan3A_86 = arith.constant 24 : i32
    return
  }
}

module attributes {stable_mosaic.version = 14 : i64} {
  func.func @_router_body(%arg0: i32, %arg1: memref<1x8x96x4096xf32, #tpu.memory_space<vmem>>, %arg2: memref<9x24x96xf32, #tpu.memory_space<vmem>>, %arg3: memref<1x24xf32, #tpu.memory_space<vmem>>, %arg4: memref<1x24xf32, #tpu.memory_space<vmem>>, %arg5: memref<1x1xf32, #tpu.memory_space<vmem>>, %arg6: memref<1x1x4096xf32, #tpu.memory_space<vmem>>) attributes {dimension_semantics = [#tpu.dimension_semantics<arbitrary>], iteration_bounds = array<i64: 8>, scalar_prefetch = 0 : i64, scratch_operands = 0 : i64, tpu.core_type = #tpu.core_type<tc>, window_params = [{transform_indices = @transform_0, window_bounds = array<i64: 1, 8, 96, 4096>}, {pipeline_mode = #tpu.pipeline_mode<synchronous>, transform_indices = @transform_1, window_bounds = array<i64: 9, 24, 96>}, {pipeline_mode = #tpu.pipeline_mode<synchronous>, transform_indices = @transform_2, window_bounds = array<i64: 1, 24>}, {pipeline_mode = #tpu.pipeline_mode<synchronous>, transform_indices = @transform_3, window_bounds = array<i64: 1, 24>}, {pipeline_mode = #tpu.pipeline_mode<synchronous>, transform_indices = @transform_4, window_bounds = array<i64: 1, 1>}, {transform_indices = @transform_5, window_bounds = array<i64: 1, 1, 4096>}]} {
    %get3A = arith.constant 0 : index
    %get3A_0 = arith.constant 0 : index
    %get3A_1 = arith.constant 0 : index
    %get3A_2 = arith.constant 0 : index
    %get3A_3 = vector.load %arg1[%get3A, %get3A_0, %get3A_1, %get3A_2] : memref<1x8x96x4096xf32, #tpu.memory_space<vmem>>, vector<1x8x96x4096xf32>
    %get3A_4 = vector.shape_cast %get3A_3 : vector<1x8x96x4096xf32> to vector<8x96x4096xf32>
    %reduce_sum3A = arith.constant dense<0.000000e+00> : vector<96x4096xf32>
    %reduce_sum3A_5 = vector.multi_reduction <add>, %get3A_4, %reduce_sum3A [0] : vector<8x96x4096xf32> to vector<96x4096xf32>
    %div3A = arith.constant 8.000000e+00 : f32
    %div3A_6 = vector.broadcast %div3A : f32 to vector<96x4096xf32>
    %div3A_7 = arith.divf %reduce_sum3A_5, %div3A_6 : vector<96x4096xf32>
    %iota3A = tpu.iota {dimensions = array<i32: 1>} : vector<1x4096xi32>
    %jit3A = arith.constant 64 : i32
    %div3A_8 = vector.broadcast %jit3A : i32 to vector<1x4096xi32>
    %div3A_9 = arith.divsi %iota3A, %div3A_8 : vector<1x4096xi32>
    %sign3A = arith.constant 0 : i32
    %sign3A_10 = vector.broadcast %sign3A : i32 to vector<1x4096xi32>
    %sign3A_11 = arith.cmpi sgt, %iota3A, %sign3A_10 : vector<1x4096xi32>
    %sign3A_12 = arith.extui %sign3A_11 : vector<1x4096xi1> to vector<1x4096xi32>
    %sign3A_13 = arith.constant 0 : i32
    %sign3A_14 = vector.broadcast %sign3A_13 : i32 to vector<1x4096xi32>
    %sign3A_15 = arith.cmpi slt, %iota3A, %sign3A_14 : vector<1x4096xi32>
    %sign3A_16 = arith.extui %sign3A_15 : vector<1x4096xi1> to vector<1x4096xi32>
    %sign3A_17 = arith.subi %sign3A_12, %sign3A_16 : vector<1x4096xi32>
    %sign3A_18 = arith.constant 0 : i32
    %sign3A_19 = arith.cmpi sgt, %jit3A, %sign3A_18 : i32
    %sign3A_20 = arith.extui %sign3A_19 : i1 to i32
    %sign3A_21 = arith.constant 0 : i32
    %sign3A_22 = arith.cmpi slt, %jit3A, %sign3A_21 : i32
    %sign3A_23 = arith.extui %sign3A_22 : i1 to i32
    %sign3A_24 = arith.subi %sign3A_20, %sign3A_23 : i32
    %ne3A = vector.broadcast %sign3A_24 : i32 to vector<1x4096xi32>
    %ne3A_25 = arith.cmpi ne, %sign3A_17, %ne3A : vector<1x4096xi32>
    %rem3A = vector.broadcast %jit3A : i32 to vector<1x4096xi32>
    %rem3A_26 = arith.remsi %iota3A, %rem3A : vector<1x4096xi32>
    %ne3A_27 = arith.constant 0 : i32
    %ne3A_28 = vector.broadcast %ne3A_27 : i32 to vector<1x4096xi32>
    %ne3A_29 = arith.cmpi ne, %rem3A_26, %ne3A_28 : vector<1x4096xi32>
    %and3A = arith.andi %ne3A_25, %ne3A_29 : vector<1x4096xi1>
    %sub3A = arith.constant 1 : i32
    %sub3A_30 = vector.broadcast %sub3A : i32 to vector<1x4096xi32>
    %sub3A_31 = arith.subi %div3A_9, %sub3A_30 : vector<1x4096xi32>
    %select_n3A = arith.select %and3A, %sub3A_31, %div3A_9 : vector<1x4096xi1>, vector<1x4096xi32>
    %jit3A_32 = arith.constant 64 : i32
    %eq3A = arith.constant 0 : i32
    %eq3A_33 = arith.cmpi eq, %jit3A_32, %eq3A : i32
    %jit3A_34 = arith.constant 1 : i32
    %select_n3A_35 = arith.select %eq3A_33, %jit3A_34, %jit3A_32 : i32
    %rem3A_36 = vector.broadcast %select_n3A_35 : i32 to vector<1x4096xi32>
    %rem3A_37 = arith.remsi %iota3A, %rem3A_36 : vector<1x4096xi32>
    %ne3A_38 = arith.constant 0 : i32
    %ne3A_39 = vector.broadcast %ne3A_38 : i32 to vector<1x4096xi32>
    %ne3A_40 = arith.cmpi ne, %rem3A_37, %ne3A_39 : vector<1x4096xi32>
    %lt3A = arith.constant 0 : i32
    %lt3A_41 = vector.broadcast %lt3A : i32 to vector<1x4096xi32>
    %lt3A_42 = arith.cmpi slt, %rem3A_37, %lt3A_41 : vector<1x4096xi32>
    %lt3A_43 = arith.constant 0 : i32
    %lt3A_44 = arith.cmpi slt, %select_n3A_35, %lt3A_43 : i32
    %ne3A_45 = vector.broadcast %lt3A_44 : i1 to vector<1x4096xi1>
    %ne3A_46 = vector.broadcast %ne3A_45 : vector<1x4096xi1> to vector<1x4096xi1>
    %ne3A_47 = arith.xori %lt3A_42, %ne3A_46 : vector<1x4096xi1>
    %and3A_48 = arith.andi %ne3A_47, %ne3A_40 : vector<1x4096xi1>
    %add3A = vector.broadcast %select_n3A_35 : i32 to vector<1x4096xi32>
    %add3A_49 = arith.addi %rem3A_37, %add3A : vector<1x4096xi32>
    %select_n3A_50 = arith.select %and3A_48, %add3A_49, %rem3A_37 : vector<1x4096xi1>, vector<1x4096xi32>
    %get3A_51 = arith.constant 0 : index
    %get3A_52 = arith.constant 0 : index
    %get3A_53 = vector.load %arg3[%get3A_51, %get3A_52] : memref<1x24xf32, #tpu.memory_space<vmem>>, vector<1x24xf32>
    %get3A_54 = vector.shape_cast %get3A_53 : vector<1x24xf32> to vector<24xf32>
    %broadcast_in_dim3A = vector.shape_cast %get3A_54 : vector<24xf32> to vector<24x1xf32>
    %broadcast_in_dim3A_55 = vector.shape_cast %broadcast_in_dim3A : vector<24x1xf32> to vector<24x1xf32>
    %broadcast_in_dim3A_56 = vector.broadcast %broadcast_in_dim3A_55 : vector<24x1xf32> to vector<24x4096xf32>
    %slice3A = vector.extract_strided_slice %div3A_7 {offsets = [0, 4031], sizes = [96, 65], strides = [1, 1]} : vector<96x4096xf32> to vector<96x65xf32>
    %slice3A_57 = vector.extract_strided_slice %div3A_7 {offsets = [0, 0], sizes = [96, 4031], strides = [1, 1]} : vector<96x4096xf32> to vector<96x4031xf32>
    %concatenate3A = tpu.concatenate %slice3A, %slice3A_57 in 1 : vector<96x65xf32>, vector<96x4031xf32> -> vector<96x4096xf32>
    %add3A_58 = arith.constant -1 : i32
    %add3A_59 = vector.broadcast %add3A_58 : i32 to vector<1x4096xi32>
    %add3A_60 = arith.addi %select_n3A, %add3A_59 : vector<1x4096xi32>
    %ge3A = arith.constant 0 : i32
    %ge3A_61 = vector.broadcast %ge3A : i32 to vector<1x4096xi32>
    %ge3A_62 = arith.cmpi sge, %add3A_60, %ge3A_61 : vector<1x4096xi32>
    %add3A_63 = arith.constant -1 : i32
    %add3A_64 = vector.broadcast %add3A_63 : i32 to vector<1x4096xi32>
    %add3A_65 = arith.addi %select_n3A, %add3A_64 : vector<1x4096xi32>
    %lt3A_66 = arith.constant 64 : i32
    %lt3A_67 = vector.broadcast %lt3A_66 : i32 to vector<1x4096xi32>
    %lt3A_68 = arith.cmpi slt, %add3A_65, %lt3A_67 : vector<1x4096xi32>
    %and3A_69 = arith.andi %ge3A_62, %lt3A_68 : vector<1x4096xi1>
    %add3A_70 = arith.constant -1 : i32
    %add3A_71 = vector.broadcast %add3A_70 : i32 to vector<1x4096xi32>
    %add3A_72 = arith.addi %select_n3A_50, %add3A_71 : vector<1x4096xi32>
    %ge3A_73 = arith.constant 0 : i32
    %ge3A_74 = vector.broadcast %ge3A_73 : i32 to vector<1x4096xi32>
    %ge3A_75 = arith.cmpi sge, %add3A_72, %ge3A_74 : vector<1x4096xi32>
    %and3A_76 = arith.andi %and3A_69, %ge3A_75 : vector<1x4096xi1>
    %add3A_77 = arith.constant -1 : i32
    %add3A_78 = vector.broadcast %add3A_77 : i32 to vector<1x4096xi32>
    %add3A_79 = arith.addi %select_n3A_50, %add3A_78 : vector<1x4096xi32>
    %lt3A_80 = arith.constant 64 : i32
    %lt3A_81 = vector.broadcast %lt3A_80 : i32 to vector<1x4096xi32>
    %lt3A_82 = arith.cmpi slt, %add3A_79, %lt3A_81 : vector<1x4096xi32>
    %and3A_83 = arith.andi %and3A_76, %lt3A_82 : vector<1x4096xi1>
    %convert_element_type3A = arith.extui %and3A_83 : vector<1x4096xi1> to vector<1x4096xi32>
    %convert_element_type3A_84 = arith.sitofp %convert_element_type3A : vector<1x4096xi32> to vector<1x4096xf32>
    %get3A_85 = arith.constant 0 : index
    %get3A_86 = arith.constant 0 : index
    %get3A_87 = arith.constant 0 : index
    %get3A_88 = vector.load %arg2[%get3A_85, %get3A_86, %get3A_87] : memref<9x24x96xf32, #tpu.memory_space<vmem>>, vector<1x24x96xf32>
    %get3A_89 = vector.shape_cast %get3A_88 : vector<1x24x96xf32> to vector<24x96xf32>
    %dot_general3A = arith.constant dense<0.000000e+00> : vector<24x4096xf32>
    %dot_general3A_90 = tpu.matmul %get3A_89, %concatenate3A, %dot_general3A {dimension_numbers = #tpu.dot_dimension_numbers<[1], [0], [0], [1], [0, 0, 1, 1], [], []>, transpose_lhs_hint = false} : vector<24x96xf32>, vector<96x4096xf32>, vector<24x4096xf32> -> vector<24x4096xf32>
    %mul3A = vector.broadcast %convert_element_type3A_84 : vector<1x4096xf32> to vector<24x4096xf32>
    %mul3A_91 = arith.mulf %dot_general3A_90, %mul3A : vector<24x4096xf32>
    %add3A_92 = arith.addf %broadcast_in_dim3A_56, %mul3A_91 : vector<24x4096xf32>
    %slice3A_93 = vector.extract_strided_slice %div3A_7 {offsets = [0, 4032], sizes = [96, 64], strides = [1, 1]} : vector<96x4096xf32> to vector<96x64xf32>
    %slice3A_94 = vector.extract_strided_slice %div3A_7 {offsets = [0, 0], sizes = [96, 4032], strides = [1, 1]} : vector<96x4096xf32> to vector<96x4032xf32>
    %concatenate3A_95 = tpu.concatenate %slice3A_93, %slice3A_94 in 1 : vector<96x64xf32>, vector<96x4032xf32> -> vector<96x4096xf32>
    %add3A_96 = arith.constant -1 : i32
    %add3A_97 = vector.broadcast %add3A_96 : i32 to vector<1x4096xi32>
    %add3A_98 = arith.addi %select_n3A, %add3A_97 : vector<1x4096xi32>
    %ge3A_99 = arith.constant 0 : i32
    %ge3A_100 = vector.broadcast %ge3A_99 : i32 to vector<1x4096xi32>
    %ge3A_101 = arith.cmpi sge, %add3A_98, %ge3A_100 : vector<1x4096xi32>
    %add3A_102 = arith.constant -1 : i32
    %add3A_103 = vector.broadcast %add3A_102 : i32 to vector<1x4096xi32>
    %add3A_104 = arith.addi %select_n3A, %add3A_103 : vector<1x4096xi32>
    %lt3A_105 = arith.constant 64 : i32
    %lt3A_106 = vector.broadcast %lt3A_105 : i32 to vector<1x4096xi32>
    %lt3A_107 = arith.cmpi slt, %add3A_104, %lt3A_106 : vector<1x4096xi32>
    %and3A_108 = arith.andi %ge3A_101, %lt3A_107 : vector<1x4096xi1>
    %add3A_109 = arith.constant 0 : i32
    %add3A_110 = vector.broadcast %add3A_109 : i32 to vector<1x4096xi32>
    %add3A_111 = arith.addi %select_n3A_50, %add3A_110 : vector<1x4096xi32>
    %ge3A_112 = arith.constant 0 : i32
    %ge3A_113 = vector.broadcast %ge3A_112 : i32 to vector<1x4096xi32>
    %ge3A_114 = arith.cmpi sge, %add3A_111, %ge3A_113 : vector<1x4096xi32>
    %and3A_115 = arith.andi %and3A_108, %ge3A_114 : vector<1x4096xi1>
    %add3A_116 = arith.constant 0 : i32
    %add3A_117 = vector.broadcast %add3A_116 : i32 to vector<1x4096xi32>
    %add3A_118 = arith.addi %select_n3A_50, %add3A_117 : vector<1x4096xi32>
    %lt3A_119 = arith.constant 64 : i32
    %lt3A_120 = vector.broadcast %lt3A_119 : i32 to vector<1x4096xi32>
    %lt3A_121 = arith.cmpi slt, %add3A_118, %lt3A_120 : vector<1x4096xi32>
    %and3A_122 = arith.andi %and3A_115, %lt3A_121 : vector<1x4096xi1>
    %convert_element_type3A_123 = arith.extui %and3A_122 : vector<1x4096xi1> to vector<1x4096xi32>
    %convert_element_type3A_124 = arith.sitofp %convert_element_type3A_123 : vector<1x4096xi32> to vector<1x4096xf32>
    %get3A_125 = arith.constant 1 : index
    %get3A_126 = arith.constant 0 : index
    %get3A_127 = arith.constant 0 : index
    %get3A_128 = vector.load %arg2[%get3A_125, %get3A_126, %get3A_127] : memref<9x24x96xf32, #tpu.memory_space<vmem>>, vector<1x24x96xf32>
    %get3A_129 = vector.shape_cast %get3A_128 : vector<1x24x96xf32> to vector<24x96xf32>
    %dot_general3A_130 = arith.constant dense<0.000000e+00> : vector<24x4096xf32>
    %dot_general3A_131 = tpu.matmul %get3A_129, %concatenate3A_95, %dot_general3A_130 {dimension_numbers = #tpu.dot_dimension_numbers<[1], [0], [0], [1], [0, 0, 1, 1], [], []>, transpose_lhs_hint = false} : vector<24x96xf32>, vector<96x4096xf32>, vector<24x4096xf32> -> vector<24x4096xf32>
    %mul3A_132 = vector.broadcast %convert_element_type3A_124 : vector<1x4096xf32> to vector<24x4096xf32>
    %mul3A_133 = arith.mulf %dot_general3A_131, %mul3A_132 : vector<24x4096xf32>
    %add3A_134 = arith.addf %add3A_92, %mul3A_133 : vector<24x4096xf32>
    %slice3A_135 = vector.extract_strided_slice %div3A_7 {offsets = [0, 4033], sizes = [96, 63], strides = [1, 1]} : vector<96x4096xf32> to vector<96x63xf32>
    %slice3A_136 = vector.extract_strided_slice %div3A_7 {offsets = [0, 0], sizes = [96, 4033], strides = [1, 1]} : vector<96x4096xf32> to vector<96x4033xf32>
    %concatenate3A_137 = tpu.concatenate %slice3A_135, %slice3A_136 in 1 : vector<96x63xf32>, vector<96x4033xf32> -> vector<96x4096xf32>
    %add3A_138 = arith.constant -1 : i32
    %add3A_139 = vector.broadcast %add3A_138 : i32 to vector<1x4096xi32>
    %add3A_140 = arith.addi %select_n3A, %add3A_139 : vector<1x4096xi32>
    %ge3A_141 = arith.constant 0 : i32
    %ge3A_142 = vector.broadcast %ge3A_141 : i32 to vector<1x4096xi32>
    %ge3A_143 = arith.cmpi sge, %add3A_140, %ge3A_142 : vector<1x4096xi32>
    %add3A_144 = arith.constant -1 : i32
    %add3A_145 = vector.broadcast %add3A_144 : i32 to vector<1x4096xi32>
    %add3A_146 = arith.addi %select_n3A, %add3A_145 : vector<1x4096xi32>
    %lt3A_147 = arith.constant 64 : i32
    %lt3A_148 = vector.broadcast %lt3A_147 : i32 to vector<1x4096xi32>
    %lt3A_149 = arith.cmpi slt, %add3A_146, %lt3A_148 : vector<1x4096xi32>
    %and3A_150 = arith.andi %ge3A_143, %lt3A_149 : vector<1x4096xi1>
    %add3A_151 = arith.constant 1 : i32
    %add3A_152 = vector.broadcast %add3A_151 : i32 to vector<1x4096xi32>
    %add3A_153 = arith.addi %select_n3A_50, %add3A_152 : vector<1x4096xi32>
    %ge3A_154 = arith.constant 0 : i32
    %ge3A_155 = vector.broadcast %ge3A_154 : i32 to vector<1x4096xi32>
    %ge3A_156 = arith.cmpi sge, %add3A_153, %ge3A_155 : vector<1x4096xi32>
    %and3A_157 = arith.andi %and3A_150, %ge3A_156 : vector<1x4096xi1>
    %add3A_158 = arith.constant 1 : i32
    %add3A_159 = vector.broadcast %add3A_158 : i32 to vector<1x4096xi32>
    %add3A_160 = arith.addi %select_n3A_50, %add3A_159 : vector<1x4096xi32>
    %lt3A_161 = arith.constant 64 : i32
    %lt3A_162 = vector.broadcast %lt3A_161 : i32 to vector<1x4096xi32>
    %lt3A_163 = arith.cmpi slt, %add3A_160, %lt3A_162 : vector<1x4096xi32>
    %and3A_164 = arith.andi %and3A_157, %lt3A_163 : vector<1x4096xi1>
    %convert_element_type3A_165 = arith.extui %and3A_164 : vector<1x4096xi1> to vector<1x4096xi32>
    %convert_element_type3A_166 = arith.sitofp %convert_element_type3A_165 : vector<1x4096xi32> to vector<1x4096xf32>
    %get3A_167 = arith.constant 2 : index
    %get3A_168 = arith.constant 0 : index
    %get3A_169 = arith.constant 0 : index
    %get3A_170 = vector.load %arg2[%get3A_167, %get3A_168, %get3A_169] : memref<9x24x96xf32, #tpu.memory_space<vmem>>, vector<1x24x96xf32>
    %get3A_171 = vector.shape_cast %get3A_170 : vector<1x24x96xf32> to vector<24x96xf32>
    %dot_general3A_172 = arith.constant dense<0.000000e+00> : vector<24x4096xf32>
    %dot_general3A_173 = tpu.matmul %get3A_171, %concatenate3A_137, %dot_general3A_172 {dimension_numbers = #tpu.dot_dimension_numbers<[1], [0], [0], [1], [0, 0, 1, 1], [], []>, transpose_lhs_hint = false} : vector<24x96xf32>, vector<96x4096xf32>, vector<24x4096xf32> -> vector<24x4096xf32>
    %mul3A_174 = vector.broadcast %convert_element_type3A_166 : vector<1x4096xf32> to vector<24x4096xf32>
    %mul3A_175 = arith.mulf %dot_general3A_173, %mul3A_174 : vector<24x4096xf32>
    %add3A_176 = arith.addf %add3A_134, %mul3A_175 : vector<24x4096xf32>
    %slice3A_177 = vector.extract_strided_slice %div3A_7 {offsets = [0, 4095], sizes = [96, 1], strides = [1, 1]} : vector<96x4096xf32> to vector<96x1xf32>
    %slice3A_178 = vector.extract_strided_slice %div3A_7 {offsets = [0, 0], sizes = [96, 4095], strides = [1, 1]} : vector<96x4096xf32> to vector<96x4095xf32>
    %concatenate3A_179 = tpu.concatenate %slice3A_177, %slice3A_178 in 1 : vector<96x1xf32>, vector<96x4095xf32> -> vector<96x4096xf32>
    %add3A_180 = arith.constant 0 : i32
    %add3A_181 = vector.broadcast %add3A_180 : i32 to vector<1x4096xi32>
    %add3A_182 = arith.addi %select_n3A, %add3A_181 : vector<1x4096xi32>
    %ge3A_183 = arith.constant 0 : i32
    %ge3A_184 = vector.broadcast %ge3A_183 : i32 to vector<1x4096xi32>
    %ge3A_185 = arith.cmpi sge, %add3A_182, %ge3A_184 : vector<1x4096xi32>
    %add3A_186 = arith.constant 0 : i32
    %add3A_187 = vector.broadcast %add3A_186 : i32 to vector<1x4096xi32>
    %add3A_188 = arith.addi %select_n3A, %add3A_187 : vector<1x4096xi32>
    %lt3A_189 = arith.constant 64 : i32
    %lt3A_190 = vector.broadcast %lt3A_189 : i32 to vector<1x4096xi32>
    %lt3A_191 = arith.cmpi slt, %add3A_188, %lt3A_190 : vector<1x4096xi32>
    %and3A_192 = arith.andi %ge3A_185, %lt3A_191 : vector<1x4096xi1>
    %add3A_193 = arith.constant -1 : i32
    %add3A_194 = vector.broadcast %add3A_193 : i32 to vector<1x4096xi32>
    %add3A_195 = arith.addi %select_n3A_50, %add3A_194 : vector<1x4096xi32>
    %ge3A_196 = arith.constant 0 : i32
    %ge3A_197 = vector.broadcast %ge3A_196 : i32 to vector<1x4096xi32>
    %ge3A_198 = arith.cmpi sge, %add3A_195, %ge3A_197 : vector<1x4096xi32>
    %and3A_199 = arith.andi %and3A_192, %ge3A_198 : vector<1x4096xi1>
    %add3A_200 = arith.constant -1 : i32
    %add3A_201 = vector.broadcast %add3A_200 : i32 to vector<1x4096xi32>
    %add3A_202 = arith.addi %select_n3A_50, %add3A_201 : vector<1x4096xi32>
    %lt3A_203 = arith.constant 64 : i32
    %lt3A_204 = vector.broadcast %lt3A_203 : i32 to vector<1x4096xi32>
    %lt3A_205 = arith.cmpi slt, %add3A_202, %lt3A_204 : vector<1x4096xi32>
    %and3A_206 = arith.andi %and3A_199, %lt3A_205 : vector<1x4096xi1>
    %convert_element_type3A_207 = arith.extui %and3A_206 : vector<1x4096xi1> to vector<1x4096xi32>
    %convert_element_type3A_208 = arith.sitofp %convert_element_type3A_207 : vector<1x4096xi32> to vector<1x4096xf32>
    %get3A_209 = arith.constant 3 : index
    %get3A_210 = arith.constant 0 : index
    %get3A_211 = arith.constant 0 : index
    %get3A_212 = vector.load %arg2[%get3A_209, %get3A_210, %get3A_211] : memref<9x24x96xf32, #tpu.memory_space<vmem>>, vector<1x24x96xf32>
    %get3A_213 = vector.shape_cast %get3A_212 : vector<1x24x96xf32> to vector<24x96xf32>
    %dot_general3A_214 = arith.constant dense<0.000000e+00> : vector<24x4096xf32>
    %dot_general3A_215 = tpu.matmul %get3A_213, %concatenate3A_179, %dot_general3A_214 {dimension_numbers = #tpu.dot_dimension_numbers<[1], [0], [0], [1], [0, 0, 1, 1], [], []>, transpose_lhs_hint = false} : vector<24x96xf32>, vector<96x4096xf32>, vector<24x4096xf32> -> vector<24x4096xf32>
    %mul3A_216 = vector.broadcast %convert_element_type3A_208 : vector<1x4096xf32> to vector<24x4096xf32>
    %mul3A_217 = arith.mulf %dot_general3A_215, %mul3A_216 : vector<24x4096xf32>
    %add3A_218 = arith.addf %add3A_176, %mul3A_217 : vector<24x4096xf32>
    %add3A_219 = arith.constant 0 : i32
    %add3A_220 = vector.broadcast %add3A_219 : i32 to vector<1x4096xi32>
    %add3A_221 = arith.addi %select_n3A, %add3A_220 : vector<1x4096xi32>
    %ge3A_222 = arith.constant 0 : i32
    %ge3A_223 = vector.broadcast %ge3A_222 : i32 to vector<1x4096xi32>
    %ge3A_224 = arith.cmpi sge, %add3A_221, %ge3A_223 : vector<1x4096xi32>
    %add3A_225 = arith.constant 0 : i32
    %add3A_226 = vector.broadcast %add3A_225 : i32 to vector<1x4096xi32>
    %add3A_227 = arith.addi %select_n3A, %add3A_226 : vector<1x4096xi32>
    %lt3A_228 = arith.constant 64 : i32
    %lt3A_229 = vector.broadcast %lt3A_228 : i32 to vector<1x4096xi32>
    %lt3A_230 = arith.cmpi slt, %add3A_227, %lt3A_229 : vector<1x4096xi32>
    %and3A_231 = arith.andi %ge3A_224, %lt3A_230 : vector<1x4096xi1>
    %add3A_232 = arith.constant 0 : i32
    %add3A_233 = vector.broadcast %add3A_232 : i32 to vector<1x4096xi32>
    %add3A_234 = arith.addi %select_n3A_50, %add3A_233 : vector<1x4096xi32>
    %ge3A_235 = arith.constant 0 : i32
    %ge3A_236 = vector.broadcast %ge3A_235 : i32 to vector<1x4096xi32>
    %ge3A_237 = arith.cmpi sge, %add3A_234, %ge3A_236 : vector<1x4096xi32>
    %and3A_238 = arith.andi %and3A_231, %ge3A_237 : vector<1x4096xi1>
    %add3A_239 = arith.constant 0 : i32
    %add3A_240 = vector.broadcast %add3A_239 : i32 to vector<1x4096xi32>
    %add3A_241 = arith.addi %select_n3A_50, %add3A_240 : vector<1x4096xi32>
    %lt3A_242 = arith.constant 64 : i32
    %lt3A_243 = vector.broadcast %lt3A_242 : i32 to vector<1x4096xi32>
    %lt3A_244 = arith.cmpi slt, %add3A_241, %lt3A_243 : vector<1x4096xi32>
    %and3A_245 = arith.andi %and3A_238, %lt3A_244 : vector<1x4096xi1>
    %convert_element_type3A_246 = arith.extui %and3A_245 : vector<1x4096xi1> to vector<1x4096xi32>
    %convert_element_type3A_247 = arith.sitofp %convert_element_type3A_246 : vector<1x4096xi32> to vector<1x4096xf32>
    %get3A_248 = arith.constant 4 : index
    %get3A_249 = arith.constant 0 : index
    %get3A_250 = arith.constant 0 : index
    %get3A_251 = vector.load %arg2[%get3A_248, %get3A_249, %get3A_250] : memref<9x24x96xf32, #tpu.memory_space<vmem>>, vector<1x24x96xf32>
    %get3A_252 = vector.shape_cast %get3A_251 : vector<1x24x96xf32> to vector<24x96xf32>
    %dot_general3A_253 = arith.constant dense<0.000000e+00> : vector<24x4096xf32>
    %dot_general3A_254 = tpu.matmul %get3A_252, %div3A_7, %dot_general3A_253 {dimension_numbers = #tpu.dot_dimension_numbers<[1], [0], [0], [1], [0, 0, 1, 1], [], []>, transpose_lhs_hint = false} : vector<24x96xf32>, vector<96x4096xf32>, vector<24x4096xf32> -> vector<24x4096xf32>
    %mul3A_255 = vector.broadcast %convert_element_type3A_247 : vector<1x4096xf32> to vector<24x4096xf32>
    %mul3A_256 = arith.mulf %dot_general3A_254, %mul3A_255 : vector<24x4096xf32>
    %add3A_257 = arith.addf %add3A_218, %mul3A_256 : vector<24x4096xf32>
    %slice3A_258 = vector.extract_strided_slice %div3A_7 {offsets = [0, 1], sizes = [96, 4095], strides = [1, 1]} : vector<96x4096xf32> to vector<96x4095xf32>
    %slice3A_259 = vector.extract_strided_slice %div3A_7 {offsets = [0, 0], sizes = [96, 1], strides = [1, 1]} : vector<96x4096xf32> to vector<96x1xf32>
    %concatenate3A_260 = tpu.concatenate %slice3A_258, %slice3A_259 in 1 : vector<96x4095xf32>, vector<96x1xf32> -> vector<96x4096xf32>
    %add3A_261 = arith.constant 0 : i32
    %add3A_262 = vector.broadcast %add3A_261 : i32 to vector<1x4096xi32>
    %add3A_263 = arith.addi %select_n3A, %add3A_262 : vector<1x4096xi32>
    %ge3A_264 = arith.constant 0 : i32
    %ge3A_265 = vector.broadcast %ge3A_264 : i32 to vector<1x4096xi32>
    %ge3A_266 = arith.cmpi sge, %add3A_263, %ge3A_265 : vector<1x4096xi32>
    %add3A_267 = arith.constant 0 : i32
    %add3A_268 = vector.broadcast %add3A_267 : i32 to vector<1x4096xi32>
    %add3A_269 = arith.addi %select_n3A, %add3A_268 : vector<1x4096xi32>
    %lt3A_270 = arith.constant 64 : i32
    %lt3A_271 = vector.broadcast %lt3A_270 : i32 to vector<1x4096xi32>
    %lt3A_272 = arith.cmpi slt, %add3A_269, %lt3A_271 : vector<1x4096xi32>
    %and3A_273 = arith.andi %ge3A_266, %lt3A_272 : vector<1x4096xi1>
    %add3A_274 = arith.constant 1 : i32
    %add3A_275 = vector.broadcast %add3A_274 : i32 to vector<1x4096xi32>
    %add3A_276 = arith.addi %select_n3A_50, %add3A_275 : vector<1x4096xi32>
    %ge3A_277 = arith.constant 0 : i32
    %ge3A_278 = vector.broadcast %ge3A_277 : i32 to vector<1x4096xi32>
    %ge3A_279 = arith.cmpi sge, %add3A_276, %ge3A_278 : vector<1x4096xi32>
    %and3A_280 = arith.andi %and3A_273, %ge3A_279 : vector<1x4096xi1>
    %add3A_281 = arith.constant 1 : i32
    %add3A_282 = vector.broadcast %add3A_281 : i32 to vector<1x4096xi32>
    %add3A_283 = arith.addi %select_n3A_50, %add3A_282 : vector<1x4096xi32>
    %lt3A_284 = arith.constant 64 : i32
    %lt3A_285 = vector.broadcast %lt3A_284 : i32 to vector<1x4096xi32>
    %lt3A_286 = arith.cmpi slt, %add3A_283, %lt3A_285 : vector<1x4096xi32>
    %and3A_287 = arith.andi %and3A_280, %lt3A_286 : vector<1x4096xi1>
    %convert_element_type3A_288 = arith.extui %and3A_287 : vector<1x4096xi1> to vector<1x4096xi32>
    %convert_element_type3A_289 = arith.sitofp %convert_element_type3A_288 : vector<1x4096xi32> to vector<1x4096xf32>
    %get3A_290 = arith.constant 5 : index
    %get3A_291 = arith.constant 0 : index
    %get3A_292 = arith.constant 0 : index
    %get3A_293 = vector.load %arg2[%get3A_290, %get3A_291, %get3A_292] : memref<9x24x96xf32, #tpu.memory_space<vmem>>, vector<1x24x96xf32>
    %get3A_294 = vector.shape_cast %get3A_293 : vector<1x24x96xf32> to vector<24x96xf32>
    %dot_general3A_295 = arith.constant dense<0.000000e+00> : vector<24x4096xf32>
    %dot_general3A_296 = tpu.matmul %get3A_294, %concatenate3A_260, %dot_general3A_295 {dimension_numbers = #tpu.dot_dimension_numbers<[1], [0], [0], [1], [0, 0, 1, 1], [], []>, transpose_lhs_hint = false} : vector<24x96xf32>, vector<96x4096xf32>, vector<24x4096xf32> -> vector<24x4096xf32>
    %mul3A_297 = vector.broadcast %convert_element_type3A_289 : vector<1x4096xf32> to vector<24x4096xf32>
    %mul3A_298 = arith.mulf %dot_general3A_296, %mul3A_297 : vector<24x4096xf32>
    %add3A_299 = arith.addf %add3A_257, %mul3A_298 : vector<24x4096xf32>
    %slice3A_300 = vector.extract_strided_slice %div3A_7 {offsets = [0, 63], sizes = [96, 4033], strides = [1, 1]} : vector<96x4096xf32> to vector<96x4033xf32>
    %slice3A_301 = vector.extract_strided_slice %div3A_7 {offsets = [0, 0], sizes = [96, 63], strides = [1, 1]} : vector<96x4096xf32> to vector<96x63xf32>
    %concatenate3A_302 = tpu.concatenate %slice3A_300, %slice3A_301 in 1 : vector<96x4033xf32>, vector<96x63xf32> -> vector<96x4096xf32>
    %add3A_303 = arith.constant 1 : i32
    %add3A_304 = vector.broadcast %add3A_303 : i32 to vector<1x4096xi32>
    %add3A_305 = arith.addi %select_n3A, %add3A_304 : vector<1x4096xi32>
    %ge3A_306 = arith.constant 0 : i32
    %ge3A_307 = vector.broadcast %ge3A_306 : i32 to vector<1x4096xi32>
    %ge3A_308 = arith.cmpi sge, %add3A_305, %ge3A_307 : vector<1x4096xi32>
    %add3A_309 = arith.constant 1 : i32
    %add3A_310 = vector.broadcast %add3A_309 : i32 to vector<1x4096xi32>
    %add3A_311 = arith.addi %select_n3A, %add3A_310 : vector<1x4096xi32>
    %lt3A_312 = arith.constant 64 : i32
    %lt3A_313 = vector.broadcast %lt3A_312 : i32 to vector<1x4096xi32>
    %lt3A_314 = arith.cmpi slt, %add3A_311, %lt3A_313 : vector<1x4096xi32>
    %and3A_315 = arith.andi %ge3A_308, %lt3A_314 : vector<1x4096xi1>
    %add3A_316 = arith.constant -1 : i32
    %add3A_317 = vector.broadcast %add3A_316 : i32 to vector<1x4096xi32>
    %add3A_318 = arith.addi %select_n3A_50, %add3A_317 : vector<1x4096xi32>
    %ge3A_319 = arith.constant 0 : i32
    %ge3A_320 = vector.broadcast %ge3A_319 : i32 to vector<1x4096xi32>
    %ge3A_321 = arith.cmpi sge, %add3A_318, %ge3A_320 : vector<1x4096xi32>
    %and3A_322 = arith.andi %and3A_315, %ge3A_321 : vector<1x4096xi1>
    %add3A_323 = arith.constant -1 : i32
    %add3A_324 = vector.broadcast %add3A_323 : i32 to vector<1x4096xi32>
    %add3A_325 = arith.addi %select_n3A_50, %add3A_324 : vector<1x4096xi32>
    %lt3A_326 = arith.constant 64 : i32
    %lt3A_327 = vector.broadcast %lt3A_326 : i32 to vector<1x4096xi32>
    %lt3A_328 = arith.cmpi slt, %add3A_325, %lt3A_327 : vector<1x4096xi32>
    %and3A_329 = arith.andi %and3A_322, %lt3A_328 : vector<1x4096xi1>
    %convert_element_type3A_330 = arith.extui %and3A_329 : vector<1x4096xi1> to vector<1x4096xi32>
    %convert_element_type3A_331 = arith.sitofp %convert_element_type3A_330 : vector<1x4096xi32> to vector<1x4096xf32>
    %get3A_332 = arith.constant 6 : index
    %get3A_333 = arith.constant 0 : index
    %get3A_334 = arith.constant 0 : index
    %get3A_335 = vector.load %arg2[%get3A_332, %get3A_333, %get3A_334] : memref<9x24x96xf32, #tpu.memory_space<vmem>>, vector<1x24x96xf32>
    %get3A_336 = vector.shape_cast %get3A_335 : vector<1x24x96xf32> to vector<24x96xf32>
    %dot_general3A_337 = arith.constant dense<0.000000e+00> : vector<24x4096xf32>
    %dot_general3A_338 = tpu.matmul %get3A_336, %concatenate3A_302, %dot_general3A_337 {dimension_numbers = #tpu.dot_dimension_numbers<[1], [0], [0], [1], [0, 0, 1, 1], [], []>, transpose_lhs_hint = false} : vector<24x96xf32>, vector<96x4096xf32>, vector<24x4096xf32> -> vector<24x4096xf32>
    %mul3A_339 = vector.broadcast %convert_element_type3A_331 : vector<1x4096xf32> to vector<24x4096xf32>
    %mul3A_340 = arith.mulf %dot_general3A_338, %mul3A_339 : vector<24x4096xf32>
    %add3A_341 = arith.addf %add3A_299, %mul3A_340 : vector<24x4096xf32>
    %slice3A_342 = vector.extract_strided_slice %div3A_7 {offsets = [0, 64], sizes = [96, 4032], strides = [1, 1]} : vector<96x4096xf32> to vector<96x4032xf32>
    %slice3A_343 = vector.extract_strided_slice %div3A_7 {offsets = [0, 0], sizes = [96, 64], strides = [1, 1]} : vector<96x4096xf32> to vector<96x64xf32>
    %concatenate3A_344 = tpu.concatenate %slice3A_342, %slice3A_343 in 1 : vector<96x4032xf32>, vector<96x64xf32> -> vector<96x4096xf32>
    %add3A_345 = arith.constant 1 : i32
    %add3A_346 = vector.broadcast %add3A_345 : i32 to vector<1x4096xi32>
    %add3A_347 = arith.addi %select_n3A, %add3A_346 : vector<1x4096xi32>
    %ge3A_348 = arith.constant 0 : i32
    %ge3A_349 = vector.broadcast %ge3A_348 : i32 to vector<1x4096xi32>
    %ge3A_350 = arith.cmpi sge, %add3A_347, %ge3A_349 : vector<1x4096xi32>
    %add3A_351 = arith.constant 1 : i32
    %add3A_352 = vector.broadcast %add3A_351 : i32 to vector<1x4096xi32>
    %add3A_353 = arith.addi %select_n3A, %add3A_352 : vector<1x4096xi32>
    %lt3A_354 = arith.constant 64 : i32
    %lt3A_355 = vector.broadcast %lt3A_354 : i32 to vector<1x4096xi32>
    %lt3A_356 = arith.cmpi slt, %add3A_353, %lt3A_355 : vector<1x4096xi32>
    %and3A_357 = arith.andi %ge3A_350, %lt3A_356 : vector<1x4096xi1>
    %add3A_358 = arith.constant 0 : i32
    %add3A_359 = vector.broadcast %add3A_358 : i32 to vector<1x4096xi32>
    %add3A_360 = arith.addi %select_n3A_50, %add3A_359 : vector<1x4096xi32>
    %ge3A_361 = arith.constant 0 : i32
    %ge3A_362 = vector.broadcast %ge3A_361 : i32 to vector<1x4096xi32>
    %ge3A_363 = arith.cmpi sge, %add3A_360, %ge3A_362 : vector<1x4096xi32>
    %and3A_364 = arith.andi %and3A_357, %ge3A_363 : vector<1x4096xi1>
    %add3A_365 = arith.constant 0 : i32
    %add3A_366 = vector.broadcast %add3A_365 : i32 to vector<1x4096xi32>
    %add3A_367 = arith.addi %select_n3A_50, %add3A_366 : vector<1x4096xi32>
    %lt3A_368 = arith.constant 64 : i32
    %lt3A_369 = vector.broadcast %lt3A_368 : i32 to vector<1x4096xi32>
    %lt3A_370 = arith.cmpi slt, %add3A_367, %lt3A_369 : vector<1x4096xi32>
    %and3A_371 = arith.andi %and3A_364, %lt3A_370 : vector<1x4096xi1>
    %convert_element_type3A_372 = arith.extui %and3A_371 : vector<1x4096xi1> to vector<1x4096xi32>
    %convert_element_type3A_373 = arith.sitofp %convert_element_type3A_372 : vector<1x4096xi32> to vector<1x4096xf32>
    %get3A_374 = arith.constant 7 : index
    %get3A_375 = arith.constant 0 : index
    %get3A_376 = arith.constant 0 : index
    %get3A_377 = vector.load %arg2[%get3A_374, %get3A_375, %get3A_376] : memref<9x24x96xf32, #tpu.memory_space<vmem>>, vector<1x24x96xf32>
    %get3A_378 = vector.shape_cast %get3A_377 : vector<1x24x96xf32> to vector<24x96xf32>
    %dot_general3A_379 = arith.constant dense<0.000000e+00> : vector<24x4096xf32>
    %dot_general3A_380 = tpu.matmul %get3A_378, %concatenate3A_344, %dot_general3A_379 {dimension_numbers = #tpu.dot_dimension_numbers<[1], [0], [0], [1], [0, 0, 1, 1], [], []>, transpose_lhs_hint = false} : vector<24x96xf32>, vector<96x4096xf32>, vector<24x4096xf32> -> vector<24x4096xf32>
    %mul3A_381 = vector.broadcast %convert_element_type3A_373 : vector<1x4096xf32> to vector<24x4096xf32>
    %mul3A_382 = arith.mulf %dot_general3A_380, %mul3A_381 : vector<24x4096xf32>
    %add3A_383 = arith.addf %add3A_341, %mul3A_382 : vector<24x4096xf32>
    %slice3A_384 = vector.extract_strided_slice %div3A_7 {offsets = [0, 65], sizes = [96, 4031], strides = [1, 1]} : vector<96x4096xf32> to vector<96x4031xf32>
    %slice3A_385 = vector.extract_strided_slice %div3A_7 {offsets = [0, 0], sizes = [96, 65], strides = [1, 1]} : vector<96x4096xf32> to vector<96x65xf32>
    %concatenate3A_386 = tpu.concatenate %slice3A_384, %slice3A_385 in 1 : vector<96x4031xf32>, vector<96x65xf32> -> vector<96x4096xf32>
    %add3A_387 = arith.constant 1 : i32
    %add3A_388 = vector.broadcast %add3A_387 : i32 to vector<1x4096xi32>
    %add3A_389 = arith.addi %select_n3A, %add3A_388 : vector<1x4096xi32>
    %ge3A_390 = arith.constant 0 : i32
    %ge3A_391 = vector.broadcast %ge3A_390 : i32 to vector<1x4096xi32>
    %ge3A_392 = arith.cmpi sge, %add3A_389, %ge3A_391 : vector<1x4096xi32>
    %add3A_393 = arith.constant 1 : i32
    %add3A_394 = vector.broadcast %add3A_393 : i32 to vector<1x4096xi32>
    %add3A_395 = arith.addi %select_n3A, %add3A_394 : vector<1x4096xi32>
    %lt3A_396 = arith.constant 64 : i32
    %lt3A_397 = vector.broadcast %lt3A_396 : i32 to vector<1x4096xi32>
    %lt3A_398 = arith.cmpi slt, %add3A_395, %lt3A_397 : vector<1x4096xi32>
    %and3A_399 = arith.andi %ge3A_392, %lt3A_398 : vector<1x4096xi1>
    %add3A_400 = arith.constant 1 : i32
    %add3A_401 = vector.broadcast %add3A_400 : i32 to vector<1x4096xi32>
    %add3A_402 = arith.addi %select_n3A_50, %add3A_401 : vector<1x4096xi32>
    %ge3A_403 = arith.constant 0 : i32
    %ge3A_404 = vector.broadcast %ge3A_403 : i32 to vector<1x4096xi32>
    %ge3A_405 = arith.cmpi sge, %add3A_402, %ge3A_404 : vector<1x4096xi32>
    %and3A_406 = arith.andi %and3A_399, %ge3A_405 : vector<1x4096xi1>
    %add3A_407 = arith.constant 1 : i32
    %add3A_408 = vector.broadcast %add3A_407 : i32 to vector<1x4096xi32>
    %add3A_409 = arith.addi %select_n3A_50, %add3A_408 : vector<1x4096xi32>
    %lt3A_410 = arith.constant 64 : i32
    %lt3A_411 = vector.broadcast %lt3A_410 : i32 to vector<1x4096xi32>
    %lt3A_412 = arith.cmpi slt, %add3A_409, %lt3A_411 : vector<1x4096xi32>
    %and3A_413 = arith.andi %and3A_406, %lt3A_412 : vector<1x4096xi1>
    %convert_element_type3A_414 = arith.extui %and3A_413 : vector<1x4096xi1> to vector<1x4096xi32>
    %convert_element_type3A_415 = arith.sitofp %convert_element_type3A_414 : vector<1x4096xi32> to vector<1x4096xf32>
    %get3A_416 = arith.constant 8 : index
    %get3A_417 = arith.constant 0 : index
    %get3A_418 = arith.constant 0 : index
    %get3A_419 = vector.load %arg2[%get3A_416, %get3A_417, %get3A_418] : memref<9x24x96xf32, #tpu.memory_space<vmem>>, vector<1x24x96xf32>
    %get3A_420 = vector.shape_cast %get3A_419 : vector<1x24x96xf32> to vector<24x96xf32>
    %dot_general3A_421 = arith.constant dense<0.000000e+00> : vector<24x4096xf32>
    %dot_general3A_422 = tpu.matmul %get3A_420, %concatenate3A_386, %dot_general3A_421 {dimension_numbers = #tpu.dot_dimension_numbers<[1], [0], [0], [1], [0, 0, 1, 1], [], []>, transpose_lhs_hint = false} : vector<24x96xf32>, vector<96x4096xf32>, vector<24x4096xf32> -> vector<24x4096xf32>
    %mul3A_423 = vector.broadcast %convert_element_type3A_415 : vector<1x4096xf32> to vector<24x4096xf32>
    %mul3A_424 = arith.mulf %dot_general3A_422, %mul3A_423 : vector<24x4096xf32>
    %add3A_425 = arith.addf %add3A_383, %mul3A_424 : vector<24x4096xf32>
    %ge3A_426 = arith.constant 0.000000e+00 : f32
    %ge3A_427 = vector.broadcast %ge3A_426 : f32 to vector<24x4096xf32>
    %ge3A_428 = arith.cmpf oge, %add3A_425, %ge3A_427 : vector<24x4096xf32>
    %mul3A_429 = arith.constant 0.00999999977 : f32
    %mul3A_430 = vector.broadcast %mul3A_429 : f32 to vector<24x4096xf32>
    %mul3A_431 = arith.mulf %mul3A_430, %add3A_425 : vector<24x4096xf32>
    %select_n3A_432 = arith.select %ge3A_428, %add3A_425, %mul3A_431 : vector<24x4096xi1>, vector<24x4096xf32>
    %get3A_433 = arith.constant 0 : index
    %get3A_434 = arith.constant 0 : index
    %get3A_435 = vector.load %arg4[%get3A_433, %get3A_434] : memref<1x24xf32, #tpu.memory_space<vmem>>, vector<1x24xf32>
    %dot_general3A_436 = arith.constant dense<0.000000e+00> : vector<1x4096xf32>
    %dot_general3A_437 = tpu.matmul %get3A_435, %select_n3A_432, %dot_general3A_436 {dimension_numbers = #tpu.dot_dimension_numbers<[1], [0], [0], [1], [0, 0, 1, 1], [], []>, transpose_lhs_hint = false} : vector<1x24xf32>, vector<24x4096xf32>, vector<1x4096xf32> -> vector<1x4096xf32>
    %get3A_438 = arith.constant 0 : index
    %get3A_439 = arith.constant 0 : index
    %get3A_440 = vector.load %arg5[%get3A_438, %get3A_439] : memref<1x1xf32, #tpu.memory_space<vmem>>, vector<1x1xf32>
    %get3A_441 = vector.extract %get3A_440[0, 0] : f32 from vector<1x1xf32>
    %add3A_442 = vector.broadcast %get3A_441 : f32 to vector<1x4096xf32>
    %add3A_443 = arith.addf %dot_general3A_437, %add3A_442 : vector<1x4096xf32>
    %logistic3A = arith.negf %add3A_443 : vector<1x4096xf32>
    %logistic3A_444 = math.exp %logistic3A : vector<1x4096xf32>
    %logistic3A_445 = arith.constant 1.000000e+00 : f32
    %logistic3A_446 = vector.broadcast %logistic3A_445 : f32 to vector<1x4096xf32>
    %logistic3A_447 = arith.addf %logistic3A_446, %logistic3A_444 : vector<1x4096xf32>
    %logistic3A_448 = arith.divf %logistic3A_446, %logistic3A_447 : vector<1x4096xf32>
    %swap3A = arith.constant 0 : index
    %swap3A_449 = arith.constant 0 : index
    %swap3A_450 = arith.constant 0 : index
    %swap3A_451 = vector.load %arg6[%swap3A, %swap3A_449, %swap3A_450] : memref<1x1x4096xf32, #tpu.memory_space<vmem>>, vector<1x1x4096xf32>
    %swap3A_452 = vector.shape_cast %swap3A_451 : vector<1x1x4096xf32> to vector<1x4096xf32>
    %swap3A_453 = vector.shape_cast %logistic3A_448 : vector<1x4096xf32> to vector<1x1x4096xf32>
    tpu.vector_store %arg6[%swap3A, %swap3A_449, %swap3A_450], %swap3A_453 {strides = array<i32>} : memref<1x1x4096xf32, #tpu.memory_space<vmem>>, vector<1x1x4096xf32>,
    return
  }
  func.func @transform_0(%arg0: i32) -> (i32, i32, i32, i32) {
    %c0_i32 = arith.constant 0 : i32
    %c0_i32_0 = arith.constant 0 : i32
    %c0_i32_1 = arith.constant 0 : i32
    %c0_i32_2 = arith.constant 0 : i32
    return %arg0, %c0_i32, %c0_i32_0, %c0_i32_1 : i32, i32, i32, i32
  }
  func.func @transform_1(%arg0: i32) -> (i32, i32, i32) {
    %c0_i32 = arith.constant 0 : i32
    %c0_i32_0 = arith.constant 0 : i32
    %c0_i32_1 = arith.constant 0 : i32
    %c0_i32_2 = arith.constant 0 : i32
    return %c0_i32, %c0_i32_0, %c0_i32_1 : i32, i32, i32
  }
  func.func @transform_2(%arg0: i32) -> (i32, i32) {
    %c0_i32 = arith.constant 0 : i32
    %c0_i32_0 = arith.constant 0 : i32
    %c0_i32_1 = arith.constant 0 : i32
    return %c0_i32, %c0_i32_0 : i32, i32
  }
  func.func @transform_3(%arg0: i32) -> (i32, i32) {
    %c0_i32 = arith.constant 0 : i32
    %c0_i32_0 = arith.constant 0 : i32
    %c0_i32_1 = arith.constant 0 : i32
    return %c0_i32, %c0_i32_0 : i32, i32
  }
  func.func @transform_4(%arg0: i32) -> (i32, i32) {
    %c0_i32 = arith.constant 0 : i32
    %c0_i32_0 = arith.constant 0 : i32
    %c0_i32_1 = arith.constant 0 : i32
    return %c0_i32, %c0_i32_0 : i32, i32
  }
  func.func @transform_5(%arg0: i32) -> (i32, i32, i32) {
    %c0_i32 = arith.constant 0 : i32
    %c0_i32_0 = arith.constant 0 : i32
    %c0_i32_1 = arith.constant 0 : i32
    return %arg0, %c0_i32, %c0_i32_0 : i32, i32, i32
  }
}

module attributes {stable_mosaic.version = 14 : i64} {
  func.func @_tr_body(%arg0: i32, %arg1: i32, %arg2: i32, %arg3: memref<1x256x256xf32, #tpu.memory_space<vmem>>, %arg4: memref<1x1x256xf32, #tpu.memory_space<vmem>>, %arg5: memref<1x256x256xf32, #tpu.memory_space<vmem>>) attributes {dimension_semantics = [#tpu.dimension_semantics<arbitrary>, #tpu.dimension_semantics<arbitrary>, #tpu.dimension_semantics<arbitrary>], iteration_bounds = array<i64: 8, 8, 3>, scalar_prefetch = 0 : i64, scratch_operands = 0 : i64, tpu.core_type = #tpu.core_type<tc>, window_params = [{transform_indices = @transform_0, window_bounds = array<i64: 1, 256, 256>}, {transform_indices = @transform_1, window_bounds = array<i64: 1, 1, 256>}, {transform_indices = @transform_2, window_bounds = array<i64: 1, 256, 256>}]} {
    %get3A = arith.constant 0 : index
    %get3A_0 = arith.constant 0 : index
    %get3A_1 = arith.constant 0 : index
    %get3A_2 = vector.load %arg3[%get3A, %get3A_0, %get3A_1] : memref<1x256x256xf32, #tpu.memory_space<vmem>>, vector<1x256x256xf32>
    %get3A_3 = vector.shape_cast %get3A_2 : vector<1x256x256xf32> to vector<256x256xf32>
    %transpose3A = tpu.transpose %get3A_3, [1, 0] : vector<256x256xf32> -> vector<256x256xf32>
    %get3A_4 = arith.constant 0 : index
    %get3A_5 = arith.constant 0 : index
    %get3A_6 = arith.constant 0 : index
    %get3A_7 = vector.load %arg4[%get3A_4, %get3A_5, %get3A_6] : memref<1x1x256xf32, #tpu.memory_space<vmem>>, vector<1x1x256xf32>
    %get3A_8 = vector.shape_cast %get3A_7 : vector<1x1x256xf32> to vector<256xf32>
    %broadcast_in_dim3A = vector.shape_cast %get3A_8 : vector<256xf32> to vector<256x1xf32>
    %mul3A = vector.broadcast %broadcast_in_dim3A : vector<256x1xf32> to vector<256x256xf32>
    %mul3A_9 = arith.mulf %transpose3A, %mul3A : vector<256x256xf32>
    %swap3A = arith.constant 0 : index
    %swap3A_10 = arith.constant 0 : index
    %swap3A_11 = arith.constant 0 : index
    %swap3A_12 = vector.load %arg5[%swap3A, %swap3A_10, %swap3A_11] : memref<1x256x256xf32, #tpu.memory_space<vmem>>, vector<1x256x256xf32>
    %swap3A_13 = vector.shape_cast %swap3A_12 : vector<1x256x256xf32> to vector<256x256xf32>
    %swap3A_14 = vector.shape_cast %mul3A_9 : vector<256x256xf32> to vector<1x256x256xf32>
    tpu.vector_store %arg5[%swap3A, %swap3A_10, %swap3A_11], %swap3A_14 {strides = array<i32>} : memref<1x256x256xf32, #tpu.memory_space<vmem>>, vector<1x256x256xf32>,
    return
  }
  func.func @transform_0(%arg0: i32, %arg1: i32, %arg2: i32) -> (i32, i32, i32) {
    %c0_i32 = arith.constant 0 : i32
    return %arg0, %arg2, %arg1 : i32, i32, i32
  }
  func.func @transform_1(%arg0: i32, %arg1: i32, %arg2: i32) -> (i32, i32, i32) {
    %c0_i32 = arith.constant 0 : i32
    %c0_i32_0 = arith.constant 0 : i32
    return %arg0, %c0_i32, %arg1 : i32, i32, i32
  }
  func.func @transform_2(%arg0: i32, %arg1: i32, %arg2: i32) -> (i32, i32, i32) {
    %c0_i32 = arith.constant 0 : i32
    return %arg0, %arg1, %arg2 : i32, i32, i32
  }
}

</mosaic_0001>

<sc_bundles>
// kernel: gather_offload_async_start
scs
__scs_entry_jumppad:
0x0: {  	(pc) =	sbr.rel $0x88, $3  }
0x1: {  	(tag) =	ssettag $0x0;
	lr =	simm.s32 $0x1  }
0x2: {  	[smem:$0x3F9C] =	sst lr;
	_ =	strace $0xD0000000  }
0x3: {  	_ = 	snop  }
0x4: {  	_ = 	snop  }
0x5: {  	_ = 	snop  }
0x6: {  	_ = 	snop  }
0x7: {  	_ = 	snop  }
__scs_overlays_trampoline_lowered:
0x8: {  	[smem:$0x3FAB] =	sst s0  }
0x9: {  	[smem:$0x3FAC] =	sst s1  }
0xa: {  	[smem:$0x3FAD] =	sst s2  }
0xb: {  	[smem:$0x3FAE] =	sst s3  }
0xc: {  	[smem:$0x3FAF] =	sst s4  }
0xd: {  	[smem:$0x3FB0] =	sst s5  }
0xe: {  	[smem:$0x3FB1] =	sst s6  }
0xf: {  	[smem:$0x3FB2] =	sst s7  }
0x10: {  	[smem:$0x3FB3] =	sst s8  }
0x11: {  	[smem:$0x3FB4] =	sst s9;
	s0 =	simm.s32 @!p0 $0x0  }
0x12: {  	s1 =	sld [smem:$0x3F9A];
	s0 =	simm.s32 @p0 $0x1  }
0x13: {  	[smem:$0x3FB5] =	sst s0;
	s0 =	simm.s32 @!p1 $0x0  }
0x14: {  	s2 =	sld [smem:$0x3F99];
	s0 =	simm.s32 @p1 $0x1  }
0x15: {  	[smem:$0x3FB6] =	sst s0;
	s0 =	simm.s32 @!p2 $0x0  }
0x16: {  	s3 =	sld [smem:$0x3FDB];
	s0 =	simm.s32 @p2 $0x1  }
0x17: {  	s4 =	simm.s32 $0x1BF5;
	[smem:$0x3FB8] =	sst s0  }
0x18: {  	s0 =	sld [smem:$0x3F9B];
	_ =	swait.ge [sflag:s4], $0x0  }
0x19: {  	s7 =	sld [smem:$0x3F9C]  }
0x1a: {  	s8 =	sadd.s32 $0xFFFFE003, lr  }
0x1b: {  	s9 =	sadd.s32 $0xFFFFFEF7, lr;
	s5 =	simm.s32 $0xFFFFFFFF;
	p2 =	slt.u32 s8, $0xFFFFF086  }
0x1c: {  	p1 =	slt.u32 s9, $0xF7A;
	s5 =	simm.s32 @!p2 $0x0  }
0x1d: {  	s5 =	simm.s32 @p1 $0x1;
	p0 =	seq.s32 s7, s2  }
0x1e: {  	s7 =	smul.u32 @!p0 $0xF7A, s2;
	p2 =	seq.s32 @!p0 s5, $0x0  }
0x1f: {  	s9 =	smul.u32 $0xF7A, s1;
	s8 =	simm.s32 @!p0 $0x1BF5;
	p2 =	por !p2, p0  }
0x20: {  	[sflag:s8] =	ssyncset.s32 @!p0 $0xFFFFF086;
	s6 =	sadd.s32 @!p0 s3, s7;
	s7 =	simm.s32 @!p0 $0x108  }
0x21: {  	s3 =	sadd.s32 s3, s9;
	s6 =	sadd.s32 @!p0 $0x88, s6;
	s7 =	simm.s32 @p2 $0x1082  }
0x22: {  	[simem:s7], [sflag:s8] =	dma.local @!p0 [hbm:s6], $0xF7A  }
0x23: {  	s9 =	sor.u32 $0xD0000000, s2;
	s6 =	simm.s32 $0x108;
	_ =	swait.ge @!p0 [sflag:s8], $0x0  }
0x24: {  	s3 =	sadd.s32 $0x88, s3;
	s6 =	simm.s32 @!p1 $0x1082;
	[sflag:s4] =	ssyncset.s32 $0xFFFFF086  }
0x25: {  	[simem:s6], [sflag:s4] =	dma.local [hbm:s3], $0xF7A  }
0x26: {  	[smem:$0x3F9C] =	sst s1;
	(tag) =	ssettag s2;
	_ =	strace s9  }
0x27: {  	s1 =	sld [smem:$0x3FAC]  }
0x28: {  	s2 =	sld [smem:$0x3FAD]  }
0x29: {  	s4 =	sld [smem:$0x3FAF]  }
0x2a: {  	p0 =	seq.s32 s5, $0x0;
	s5 =	sld [smem:$0x3FB0]  }
0x2b: {  	s6 =	sld [smem:$0x3FB1]  }
0x2c: {  	s7 =	sld [smem:$0x3FB2]  }
0x2d: {  	s3 =	simm.s32 $0x108;
	s8 =	sld [smem:$0x3FB3]  }
0x2e: {  	s3 =	simm.s32 @!p0 $0x1082;
	s9 =	sld [smem:$0x3FB4]  }
0x2f: {  	lr =	sadd.s32 s0, s3;
	s0 =	sld [smem:$0x3FAB]  }
0x30: {  	s3 =	sld [smem:$0x3FAE]  }
0x31: {  	[smem:$0x3FB7] =	sst s10  }
0x32: {  	s10 =	sld [smem:$0x3FB5];
	_ =	sdelay $0x3  }
0x33: {  	p0 =	seq.s32 s10, $0x1;
	s10 =	sld [smem:$0x3FB7];
	_ =	sdelay $0x3  }
0x34: {  	[smem:$0x3FB7] =	sst s10  }
0x35: {  	s10 =	sld [smem:$0x3FB6];
	_ =	sdelay $0x3  }
0x36: {  	p1 =	seq.s32 s10, $0x1;
	s10 =	sld [smem:$0x3FB7];
	_ =	sdelay $0x3  }
0x37: {  	[smem:$0x3FB7] =	sst s10  }
0x38: {  	s10 =	sld [smem:$0x3FB8]  }
0x39: {  	_ = 	snop;
	(pc) =	sbr.ind lr, $3  }
0x3a: {  	_ = 	snop  }
0x3b: {  	_ = 	snop  }
0x3c: {  	p2 =	seq.s32 s10, $0x1;
	s10 =	sld [smem:$0x3FB7]  }
0x3d: {  	_ =	shalt  }
0x3e: {  	_ =	shalt  }
0x3f: {  	_ =	shalt  }
0x40: {  	_ =	shalt  }
0x41: {  	_ =	shalt  }
0x42: {  	_ =	shalt  }
0x43: {  	_ =	shalt  }
0x44: {  	_ =	shalt  }
0x45: {  	_ =	shalt  }
0x46: {  	_ =	shalt  }
0x47: {  	_ =	shalt  }
0x48: {  	_ =	shalt  }
0x49: {  	_ =	shalt  }
0x4a: {  	_ =	shalt  }
0x4b: {  	_ =	shalt  }
0x4c: {  	_ =	shalt  }
0x4d: {  	_ =	shalt  }
0x4e: {  	_ =	shalt  }
0x4f: {  	_ =	shalt  }
0x50: {  	_ =	shalt  }
0x51: {  	_ =	shalt  }
0x52: {  	_ =	shalt  }
0x53: {  	_ =	shalt  }
0x54: {  	_ =	shalt  }
0x55: {  	_ =	shalt  }
0x56: {  	_ =	shalt  }
0x57: {  	_ =	shalt  }
0x58: {  	_ =	shalt  }
0x59: {  	_ =	shalt  }
0x5a: {  	_ =	shalt  }
0x5b: {  	_ =	shalt  }
0x5c: {  	_ =	shalt  }
0x5d: {  	_ =	shalt  }
0x5e: {  	_ =	shalt  }
0x5f: {  	_ =	shalt  }
0x60: {  	_ =	shalt  }
0x61: {  	_ =	shalt  }
0x62: {  	_ =	shalt  }
0x63: {  	_ =	shalt  }
0x64: {  	_ =	shalt  }
0x65: {  	_ =	shalt  }
0x66: {  	_ =	shalt  }
0x67: {  	_ =	shalt  }
0x68: {  	_ =	shalt  }
0x69: {  	_ =	shalt  }
0x6a: {  	_ =	shalt  }
0x6b: {  	_ =	shalt  }
0x6c: {  	_ =	shalt  }
0x6d: {  	_ =	shalt  }
0x6e: {  	_ =	shalt  }
0x6f: {  	_ =	shalt  }
0x70: {  	_ =	shalt  }
0x71: {  	_ =	shalt  }
0x72: {  	_ =	shalt  }
0x73: {  	_ =	shalt  }
0x74: {  	_ =	shalt  }
0x75: {  	_ =	shalt  }
0x76: {  	_ =	shalt  }
0x77: {  	_ =	shalt  }
0x78: {  	_ =	shalt  }
0x79: {  	_ =	shalt  }
0x7a: {  	_ =	shalt  }
0x7b: {  	_ =	shalt  }
0x7c: {  	_ =	shalt  }
0x7d: {  	_ =	shalt  }
0x7e: {  	_ =	shalt  }
0x7f: {  	_ =	shalt  }
0x80: {  	_ =	shalt  }
0x81: {  	_ =	shalt  }
0x82: {  	_ =	shalt  }
0x83: {  	_ =	shalt  }
0x84: {  	_ =	shalt  }
0x85: {  	_ =	shalt  }
0x86: {  	_ =	shalt  }
0x87: {  	_ =	shalt  }
.Lfunc_end0:
.L_simem_size_0:
called_computation.1_lowered:
.L_overlay_start_0:
0x88: {  	s2 =	sld [smem:$0x3FD9]  }
0x89: {  	s3 =	sld [smem:$0x3FFE];
	_ =	sdelay $0x1  }
0x8a: {  	s1 =	srdreg.scid  }
0x8b: {  	s0 =	sand.u32 $0x1, s1  }
0x8c: {  	s17 =	sshll.u32 s0, $0xA;
	s2 =	sadd.s32 s3, s2  }
0x8d: {  	s2 =	sadd.s32 s2, s17  }
0x8e: {  	[smem:$0x3FC3] =	sst s2  }
0x8f: {  	_ = 	snop  }
0x90: {  	(tm) =	ssettm $0x1  }
0x91: {  	s18 =	sld [smem:$0x3FFB];
	_ =	sdelay $0x3  }
0x92: {  	_ =	strace s18  }
0x93: {  	s2 =	sld [smem:$0x3FFC];
	_ =	sdelay $0x3  }
0x94: {  	_ =	strace s2  }
0x95: {  	s2 =	sld [smem:$0x3FFD];
	_ =	sdelay $0x3  }
0x96: {  	_ =	strace s2  }
0x97: {  	_ =	strace $0x8FFFFFFF  }
0x98: {  	s19 =	sld [smem:$0x3FDB];
	_ =	sdelay $0x1  }
0x99: {  	s20 =	simm.s32 $_scs_section_size  }
0x9a: {  	s4 =	simm.s32 $_size__tile_overlayer_lowered;
	s5 =	simm.s32 $_tile_overlayer_lowered  }
0x9b: {  	s6 =	simm.s32 $0x1BFF;
	s21 =	sshll.u32 s5, $0x1;
	s3 =	sadd.s32 s20, s19  }
0x9c: {  	s22 =	simm.s32 $0x0;
	s4 =	sshll.u32 s4, $0x1;
	s5 =	sadd.s32 s21, s3  }
0x9d: {  	[timem:s22], [sflag:s6] =	dma.local [hbm:s5], s4  }
0x9e: {  	_ =	swait.ge [sflag:s6], s4  }
0x9f: {  	s4 =	ssub.s32 $0x0, s4;
	[sflag:s6] =	ssyncset.done $0x0  }
0xa0: {  	[sflag:s6] =	ssyncadd.s32 s4;
	_ =	sdelay $0x1  }
0xa1: {  	s23 =	simm.s32 $0x1B8B  }
0xa2: {  	_ =	swait.ge [sflag:s23], $0x1  }
0xa3: {  	[sflag:s23] =	ssyncset.done $0x0  }
0xa4: {  	[sflag:s23] =	ssyncadd.s32 $0xFFFFFFFF  }
0xa5: {  	s4 =	sld [smem:$0x0]  }
0xa6: {  	s5 =	sand.u32 $0xFFFFFFFE, s1  }
0xa7: {  	p0 =	sne.s32 s1, s5  }
0xa8: {  	s5 =	sshll.u32 @p0 s5, $0xE  }
0xa9: {  	s5 =	sadd.s32 @p0 $0x11B8D, s5;
	s6 =	sshll.u32 @p0 s4, $0x11  }
0xaa: {  	s5 =	sor.u32 @p0 s6, s5  }
0xab: {  	[sflag:s5] =	ssyncadd.remote.s32 @p0 $0x1;
	_ =	sdelay $0x1  }
0xac: {  	s5 =	simm.s32 @p0 $0x1B8D  }
0xad: {  	_ =	swait.eq @p0 [sflag:s5], $0x1  }
0xae: {  	[sflag:s5] =	ssyncadd.s32 @p0 $0xFFFFFFFF  }
0xaf: {  	s6 =	sshll.u32 @!p0 s1, $0xE  }
0xb0: {  	s6 =	sor.u32 @!p0 $0x4000, s6;
	s5 =	simm.s32 @!p0 $0x1B8D  }
0xb1: {  	s4 =	sshll.u32 @!p0 s4, $0x11;
	s6 =	sadd.s32 @!p0 $0x11B8D, s6;
	_ =	swait.eq @!p0 [sflag:s5], $0x1  }
0xb2: {  	s4 =	sor.u32 @!p0 s4, s6;
	[sflag:s5] =	ssyncadd.s32 @!p0 $0xFFFFFFFF  }
0xb3: {  	s25 =	simm.s32 $0x1B8E;
	s24 =	sld [smem:$0x3FFE];
	[sflag:s4] =	ssyncadd.remote.s32 @!p0 $0x1  }
0xb4: {  	s26 =	simm.s32 $execute0_lowered;
	[smem:$0x3FD2] =	sst s25  }
0xb5: {  	s5 =	sshll.u32 s26, $0x1;
	_ =	strace $0x80000049;
	[dreg:$0x1] =	wrdreg $0xFFFFFFFF  }
0xb6: {  	s28 =	simm.s32 $_size_execute0_lowered;
	s3 =	sadd.s32 s3, s5;
	[dreg:$0x0] =	wrdreg $0x0  }
0xb7: {  	s5 =	sshll.u32 s28, $0x1;
	[dreg:$0x2] =	wrdreg s3  }
0xb8: {  	[dreg:$0x3] =	wrdreg s5  }
0xb9: {  	[dreg:$0x4] =	wrdreg $0xC0  }
0xba: {  	_ =	task [dreg:s22], $0x5FFFF  }
0xbb: {  	[dreg:$0x1] =	wrdreg $0xFFFFFFFF  }
0xbc: {  	[dreg:$0x0] =	wrdreg $0x60  }
0xbd: {  	[dreg:$0x2] =	wrdreg s24  }
0xbe: {  	[dreg:$0x3] =	wrdreg $0x9  }
0xbf: {  	_ =	task.clear_ibuf [dreg:s22], $0x4FFFF;
	_ =	strace $0x90000049  }
0xc0: {  	s29 =	simm.s32 $0x9;
	_ =	strace $0x8000004B  }
0xc1: {  	_ =	swait.ge [sflag:s29], $0x1  }
0xc2: {  	[sflag:s29] =	ssyncadd.s32 $0xFFFFFFFF  }
0xc3: {  	_ =	strace $0x9000004B  }
0xc4: {  	_ =	sfence  }
0xc5: {  	s30 =	sld [smem:$0x0];
	_ =	sdelay $0x2  }
0xc6: {  	s31 =	sshll.u32 s1, $0xD;
	s1 =	sshrl.u32 s1, $0x2  }
0xc7: {  	s4 =	sand.u32 $0x4000, s31;
	s1 =	sadd.s32 s1, s30  }
0xc8: {  	s0 =	sor.u32 s4, s0;
	s1 =	sshll.u32 s1, $0x11  }
0xc9: {  	s0 =	sor.u32 s1, s0  }
0xca: {  	s0 =	sadd.s32 $0x8F2B, s0  }
0xcb: {  	[sflag:s0] =	ssyncadd.remote.s32 $0x1  }
0xcc: {  	_ =	sfence.sel $0xFFFF  }
0xcd: {  	[dreg:$0x0] =	wrdreg $0xFFFFFFFF;
	(pc) =	sbr.abs _section_cstart, $3  }
0xce: {  	[dreg:$0x1] =	wrdreg $0xFFFFFFFF  }
0xcf: {  	_ =	task.clear_ibuf [dreg:s22], $0x2FFFF;
	_ =	strace $0x9FFFFFFF  }
0xd0: {  	(tm) =	ssettm $0x7FFFFFFF  }
0xd1: {  	_ =	shalt  }
tec
execute0_lowered:
.L_overlay_start_1:
0x0: {  	(tag) =	ssettag $0x1  }
0x1: {  	s0 =	srdreg.scid;
	s5 =	rddreg [dreg:$0x0]  }
0x2: {  	s1 =	stileid.u32;
	s6 =	simm.s32 $0x1;
	s9 =	simm.s32 $0x1  }
0x3: {  	s10 =	simm.s32 $0x3;
	s13 =	simm.s32 $0x0;
	s2 =	sshll.u32 s0, $0x8  }
0x4: {  	s12 =	simm.s32 $0x0;
	s3 =	sshll.u32 s1, $0x9;
	s2 =	sand.u32 $0x100, s2  }
0x5: {  	s0 =	rddreg [dreg:$0x1];
	_ =	strace $0x8000004A;
	s2 =	sor.u32 s3, s2  }
0x6: {  	s4 =	sadd.s32 $0x601000, s5;
	[sflag:s6] =	ssyncpa.u1 $0x0;
	s8 =	ssub.s32 $0x4000, s2  }
.Ltmp0:
0x7: {  	s3 =	sadd.s32 $0x600000, s5;
	s7 =	sand.u32 $0x1F00, s8;
	(pc) =	sbr.rel .LBB2_1-.Ltmp0, $4  }
0x8: {  	s5 =	sadd.s32 $0x601800, s5;
	s11 =	smov.u32 s2;
	p0 =	sne.s32 s7, $0x0  }
0x9: {  	s8 =	sshrl.u32 s8, $0xD;
	s7 =	simm.s32 $0x2;
	s9 =	simm.s32 @!p0 $0x0  }
0xa: {  	[sflag:s7] =	ssyncpa.u1 $0x0;
	p0 =	por $0x0, $0x0;
	s8 =	sadd.s32 s9, s8  }
0xb: {  	vm0 =	vmmov $0xffff;
	[sflag:s10] =	ssyncpa.u1 $0x0;
	s10 =	simm.s32 $0x0;
	s9 =	sadd.s32 $0x1, s8  }
.LBB2_4:
0xc: {  	v5 =	vld.msk [tilespmem:s18+$0x0 ss:$0x1], $0xffff  }
0xd: {  	v6 =	vand.u32 $0x7, v1;
	v7 =	vshrl.u32 v1, $0x3  }
0xe: {  	v3 =	vor.u32 v4, v3;
	vm1 =	veq.s32 v1, $0x80000000;
	v53 =	vand.u32 $0xFFF, v7  }
0xf: {  	v2 =	vor.u32 v2, v3;
	v54 =	vsel vm1, $0xFFFFFFFF, v6;
	v1 =	vsel vm1, $0xFFFFFFFF, v53  }
0x10: {  	v6 =	vshll.u32 v54, $0x7;
	v3 =	vand.u32 $0xFFFF8000, v54;
	v55 =	vand.u32 $0x7F, v1  }
0x11: {  	v1 =	vshll.u32 v1, $0x3;
	v6 =	vand.u32 $0x380, v6;
	v56 =	vshrl.u32 v5, $0x3  }
0x12: {  	v1 =	vand.u32 $0xFFFFFC00, v1;
	vm1 =	veq.s32 v5, $0x80000000;
	v57 =	vand.u32 $0xFFF, v56  }
0x13: {  	v1 =	vadd.s32 v3, v1;
	v5 =	vand.u32 $0x7, v5;
	v3 =	vsel vm1, $0xFFFFFFFF, v57  }
0x14: {  	v1 =	vor.u32 v6, v1;
	v5 =	vsel vm1, $0xFFFFFFFF, v5;
	v58 =	vshll.u32 v3, $0x3  }
0x15: {  	v59 =	vshll.u32 v5, $0x7;
	v5 =	vand.u32 $0xFFFF8000, v5;
	v6 =	vand.u32 $0xFFFFFC00, v58  }
0x16: {  	v1 =	vor.u32 v55, v1;
	v61 =	vand.u32 $0x380, v59;
	v60 =	vadd.s32 v5, v6  }
0x17: {  	[tilespmem:s16], [sflag:$0x1] =	stream.indirect_vreg.gather [hbm4b:s3+s10], $0x1, v0, vm0, $0x4038;
	v62 =	vand.u32 $0x7F, v3;
	v63 =	vor.u32 v61, v60;
	[tilespmem:$0x400] =	vst v63  }
0x18: {  	(ifvalue) =	ssetifvalue $0x7FFFFFFF;
	v0 =	vor.u32 v62, v63  }
0x19: {  	[tilespmem:s15], [sflag:$0x1] =	stream.indirect_vreg.gather [hbm4b:s3+s10], $0x1, v2, vm0, $0x4038;
	[tilespmem:$0x400] =	vst v63  }
0x1a: {  	s29 =	sadd.s32 $0x10, s15;
	(ifvalue) =	ssetifvalue $0x7FFFFFFF  }
0x1b: {  	[tilespmem:s29], [sflag:$0x1] =	stream.indirect_vreg.gather [hbm4b:s3+s10], $0x1, v1, vm0, $0x4038;
	[tilespmem:$0x400] =	vst v63  }
0x1c: {  	s15 =	sadd.s32 $0x10, s29;
	(ifvalue) =	ssetifvalue $0x7FFFFFFF  }
0x1d: {  	[tilespmem:s15], [sflag:$0x1] =	stream.indirect_vreg.gather [hbm4b:s3+s10], $0x1, v0, vm0, $0x4038;
	[tilespmem:$0x400] =	vst v63  }
0x1e: {  	_ =	swait.ge [sflag:s6], $0x100  }
0x1f: {  	s30 =	sshrl.u32 s13, $0x3;
	[sflag:s6] =	ssyncset.done $0x0  }
0x20: {  	s31 =	sand.u32 $0x7, s13;
	s15 =	sadd.s32 s5, s30;
	[sflag:s6] =	ssyncadd.s32 $0xFFFFFF00  }
0x21: {  	[hbm4b:s15+s31] =	stream.linear.scatter [tilespmem:s14], [sflag:$0x3], $0x100, $0x38;
	[tilespmem:$0x400] =	vst v63  }
.LBB2_5:
0x22: {  	s15 =	sadd.s32 $0x2000, s11  }
0x23: {  	p2 =	sgt.s32 s15, $0x3FFF  }
0x24: {  	s15 =	smov.u32 @p2 s2;
	p2 =	sne.s32 s12, s9  }
.Ltmp1:
0x25: {  	p1 =	slt.u32 s12, $0x2;
	(pc) =	sbr.rel @!p2 .LBB2_6-.Ltmp1, $4  }
0x26: {  	s14 =	simm.s32 @!p1 $0x3  }
0x27: {  	s16 =	sadd.s32 $0x1, s12;
	_ =	swait.ge @!p1 [sflag:s14], $0x100  }
0x28: {  	s13 =	smov.u32 s11;
	p0 =	por !p0, !p0;
	[sflag:s14] =	ssyncset.done @!p1 $0x0  }
0x29: {  	s12 =	smov.u32 s16;
	s11 =	smov.u32 s15;
	[sflag:s14] =	ssyncadd.s32 @!p1 $0xFFFFFF00  }
.LBB2_1:
0x2a: {  	p1 =	sge.u32 s12, s8  }
0x2b: {  	s14 =	sxor.u32 @!p1 $0xFFFFFFFF, s12  }
0x2c: {  	s31 =	sadd.s32 $0xFFFFFFFF, s12;
	s15 =	sshrl.u32 @!p1 s11, $0x3;
	s14 =	sshll.u32 @!p1 s14, $0x8  }
0x2d: {  	s16 =	sand.u32 @!p1 $0x7, s11;
	s15 =	sadd.s32 @!p1 s4, s15;
	s14 =	sand.u32 @!p1 $0x100, s14  }
0x2e: {  	[tilespmem:s14], [sflag:$0x2] =	stream.linear.gather @!p1 [hbm4b:s15+s16], $0x100, $0x38;
	[tilespmem:$0x400] =	vst v63  }
0x2f: {  	p1 =	sge.u32 s31, s8  }
.Ltmp2:
0x30: {  	_ = 	snop;
	(pc) =	sbr.rel @p1 .LBB2_5-.Ltmp2, $1  }
0x31: {  	_ =	sdelay $0x3  }
0x32: {  	s14 =	simm.s32 $0x1  }
0x33: {  	_ =	swait.ge [sflag:s7], $0x100;
	s14 =	simm.s32 @!p0 $0x0  }
0x34: {  	[sflag:s7] =	ssyncset.done $0x0;
	s14 =	sshll.u32 s14, $0x8  }
0x35: {  	[sflag:s7] =	ssyncadd.s32 $0xFFFFFF00;
	(ifvalue) =	ssetifvalue $0x7FFFFFFF;
	v0 =	vld.msk [tilespmem:s14+$0x0 ss:$0x1], $0xffff;
	_ =	sdelay $0x4  }
0x36: {  	s15 =	sadd.s32 $0x10, s14;
	v2 =	vshrl.u32 v0, $0x3  }
0x37: {  	v1 =	vld.msk [tilespmem:s15+$0x0 ss:$0x1], $0xffff;
	vm1 =	veq.s32 v0, $0x80000000;
	v2 =	vand.u32 $0xFFF, v2  }
0x38: {  	v0 =	vand.u32 $0x7, v0;
	v2 =	vsel vm1, $0xFFFFFFFF, v2  }
0x39: {  	v0 =	vsel vm1, $0xFFFFFFFF, v0;
	v3 =	vshll.u32 v2, $0x3  }
0x3a: {  	v4 =	vand.u32 $0xFFFF8000, v0;
	v0 =	vshll.u32 v0, $0x7;
	v3 =	vand.u32 $0xFFFFFC00, v3  }
0x3b: {  	v0 =	vand.u32 $0x380, v0;
	v3 =	vadd.s32 v4, v3  }
0x3c: {  	v2 =	vand.u32 $0x7F, v2;
	v4 =	vshrl.u32 v1, $0x3;
	v0 =	vor.u32 v0, v3  }
0x3d: {  	vm1 =	veq.s32 v1, $0x80000000;
	v4 =	vand.u32 $0xFFF, v4;
	v0 =	vor.u32 v2, v0  }
0x3e: {  	s16 =	sshll.u32 s12, $0x8;
	s15 =	sadd.s32 $0x10, s15;
	v1 =	vand.u32 $0x7, v1;
	v3 =	vsel vm1, $0xFFFFFFFF, v4  }
0x3f: {  	s17 =	sand.u32 $0x100, s16;
	v2 =	vsel vm1, $0xFFFFFFFF, v1;
	v1 =	vld.msk [tilespmem:s15+$0x0 ss:$0x1], $0xffff;
	v4 =	vshll.u32 v3, $0x3  }
0x40: {  	s16 =	sor.u32 $0x200, s14;
	s14 =	sor.u32 $0x200, s17;
	s17 =	simm.s32 $0x30;
	v5 =	vshll.u32 v2, $0x7;
	v6 =	vand.u32 $0xFFFF8000, v2;
	v4 =	vand.u32 $0xFFFFFC00, v4  }
0x41: {  	s18 =	sadd.s32 $0x10, s15;
	(ifvalue) =	ssetifvalue $0x7FFFFFFF;
	s15 =	sadd.s32 $0x10, s16;
	v2 =	vand.u32 $0x7F, v3;
	v3 =	vadd.s32 v6, v4;
	v4 =	vand.u32 $0x380, v5  }
.LBB2_3:
0x42: {  	[tilespmem:s16], [sflag:$0x1] =	stream.indirect_vreg.gather [hbm4b:s3+s10], $0x1, v0, vm0, $0x4038;
	[tilespmem:$0x400] =	vst v63  }
0x43: {  	s17 =	sadd.s32 $0x10, s17  }
0x44: {  	v5 =	vand.u32 $0x7, v1;
	v6 =	vshrl.u32 v1, $0x3;
	v3 =	vor.u32 v4, v3;
	v0 =	vmovc v1;
	v1 =	vld.msk [tilespmem:s18+$0x0 ss:$0x1], $0xffff;
	p1 =	slt.u32 s17, $0xF0  }
.Ltmp3:
0x45: {  	s16 =	smov.u32 s15;
	vm1 =	veq.s32 v0, $0x80000000;
	v4 =	vand.u32 $0xFFF, v6;
	v0 =	vor.u32 v2, v3;
	(pc) =	sbr.rel @p1 .LBB2_3-.Ltmp3, $4  }
0x46: {  	v3 =	vsel vm1, $0xFFFFFFFF, v5;
	v4 =	vsel vm1, $0xFFFFFFFF, v4  }
0x47: {  	v2 =	vand.u32 $0x7F, v4;
	v4 =	vshll.u32 v4, $0x3;
	v5 =	vshll.u32 v3, $0x7  }
0x48: {  	v3 =	vand.u32 $0xFFFF8000, v3;
	v4 =	vand.u32 $0xFFFFFC00, v4  }
0x49: {  	s18 =	sadd.s32 $0x10, s18;
	s15 =	sadd.s32 $0x10, s15;
	v3 =	vadd.s32 v3, v4;
	v4 =	vand.u32 $0x380, v5;
	(ifvalue) =	ssetifvalue $0x7FFFFFFF  }
.Ltmp4:
0x4a: {  	_ = 	snop;
	(pc) =	sbr.rel .LBB2_4-.Ltmp4, $1  }
0x4b: {  	_ =	sdelay $0x3  }
.LBB2_6:
0x4c: {  	_ =	sfence.sel $0x180000  }
0x4d: {  	s2 =	simm.s32 $0x2;
	[bflag:$0x0] =	sbarrier.arrive $0xFFFF  }
0x4e: {  	s30 =	simm.s32 $0x3;
	[sflag:s2] =	ssyncpa.u1 $0x1  }
0x4f: {  	s31 =	simm.s32 $0x1;
	[sflag:s30] =	ssyncpa.u1 $0x1  }
0x50: {  	[sflag:s31] =	ssyncpa.u1 $0x1  }
0x51: {  	p0 =	sne.s32 s1, $0x0;
	_ =	strace $0x9000004A  }
0x52: {  	s0 =	sadd.s32 @!p0 $0x100000, s0;
	[bflag:$0x2] =	sbarrier.arrive $0xFFFF  }
0x53: {  	[sflag:s0] =	ssyncadd.tile.s32 @!p0 $0x1;
	_ =	shalt  }
.Lfunc_end2:
_tile_overlayer_lowered:
.L_overlay_start_2:
0x54: {  	(tag) =	ssettag $0x2  }
0x55: {  	s0 =	rddreg [dreg:$0x0];
	s2 =	stileid.u32  }
0x56: {  	s1 =	rddreg [dreg:$0x1];
	p0 =	sne.s32 s2, $0x0  }
0x57: {  	s3 =	rddreg [dreg:$0x2];
	[bflag:$0x3] =	sbarrier.arrive $0xFFFF;
	s2 =	simm.s32 @!p0 $0x1C01  }
0x58: {  	[timem:s3], [sflag:s2] =	dma.local @!p0 [hbm:s0], s1  }
0x59: {  	s0 =	simm.s32 @!p0 $0x1  }
0x5a: {  	_ =	swait.ge @!p0 [sflag:s0], s1  }
0x5b: {  	s1 =	ssub.s32 @!p0 $0x0, s1;
	[sflag:s0] =	ssyncset.done @!p0 $0x0  }
0x5c: {  	[sflag:s0] =	ssyncadd.s32 @!p0 s1  }
0x5d: {  	[bflag:$0x3] =	sbarrier.arrive $0xFFFF  }
0x5e: {  	_ =	shalt  }

// kernel: kernel.5.cloned.1.call-start
scs
__scs_entry_jumppad:
0x0: {  	(pc) =	sbr.rel $0x88, $3  }
0x1: {  	(tag) =	ssettag $0x0;
	lr =	simm.s32 $0x1  }
0x2: {  	[smem:$0x3F9C] =	sst lr;
	_ =	strace $0xD0000000  }
0x3: {  	_ = 	snop  }
0x4: {  	_ = 	snop  }
0x5: {  	_ = 	snop  }
0x6: {  	_ = 	snop  }
0x7: {  	_ = 	snop  }
__scs_overlays_trampoline_lowered:
0x8: {  	[smem:$0x3FAB] =	sst s0  }
0x9: {  	[smem:$0x3FAC] =	sst s1  }
0xa: {  	[smem:$0x3FAD] =	sst s2  }
0xb: {  	[smem:$0x3FAE] =	sst s3  }
0xc: {  	[smem:$0x3FAF] =	sst s4  }
0xd: {  	[smem:$0x3FB0] =	sst s5  }
0xe: {  	[smem:$0x3FB1] =	sst s6  }
0xf: {  	[smem:$0x3FB2] =	sst s7  }
0x10: {  	[smem:$0x3FB3] =	sst s8  }
0x11: {  	[smem:$0x3FB4] =	sst s9;
	s0 =	simm.s32 @!p0 $0x0  }
0x12: {  	s1 =	sld [smem:$0x3F9A];
	s0 =	simm.s32 @p0 $0x1  }
0x13: {  	[smem:$0x3FB5] =	sst s0;
	s0 =	simm.s32 @!p1 $0x0  }
0x14: {  	s2 =	sld [smem:$0x3F99];
	s0 =	simm.s32 @p1 $0x1  }
0x15: {  	[smem:$0x3FB6] =	sst s0;
	s0 =	simm.s32 @!p2 $0x0  }
0x16: {  	s3 =	sld [smem:$0x3FDB];
	s0 =	simm.s32 @p2 $0x1  }
0x17: {  	s4 =	simm.s32 $0x1BF5;
	[smem:$0x3FB8] =	sst s0  }
0x18: {  	s0 =	sld [smem:$0x3F9B];
	_ =	swait.ge [sflag:s4], $0x0  }
0x19: {  	s7 =	sld [smem:$0x3F9C]  }
0x1a: {  	s8 =	sadd.s32 $0xFFFFE003, lr  }
0x1b: {  	s9 =	sadd.s32 $0xFFFFFEF7, lr;
	s5 =	simm.s32 $0xFFFFFFFF;
	p2 =	slt.u32 s8, $0xFFFFF086  }
0x1c: {  	p1 =	slt.u32 s9, $0xF7A;
	s5 =	simm.s32 @!p2 $0x0  }
0x1d: {  	s5 =	simm.s32 @p1 $0x1;
	p0 =	seq.s32 s7, s2  }
0x1e: {  	s7 =	smul.u32 @!p0 $0xF7A, s2;
	p2 =	seq.s32 @!p0 s5, $0x0  }
0x1f: {  	s9 =	smul.u32 $0xF7A, s1;
	s8 =	simm.s32 @!p0 $0x1BF5;
	p2 =	por !p2, p0  }
0x20: {  	[sflag:s8] =	ssyncset.s32 @!p0 $0xFFFFF086;
	s6 =	sadd.s32 @!p0 s3, s7;
	s7 =	simm.s32 @!p0 $0x108  }
0x21: {  	s3 =	sadd.s32 s3, s9;
	s6 =	sadd.s32 @!p0 $0x88, s6;
	s7 =	simm.s32 @p2 $0x1082  }
0x22: {  	[simem:s7], [sflag:s8] =	dma.local @!p0 [hbm:s6], $0xF7A  }
0x23: {  	s9 =	sor.u32 $0xD0000000, s2;
	s6 =	simm.s32 $0x108;
	_ =	swait.ge @!p0 [sflag:s8], $0x0  }
0x24: {  	s3 =	sadd.s32 $0x88, s3;
	s6 =	simm.s32 @!p1 $0x1082;
	[sflag:s4] =	ssyncset.s32 $0xFFFFF086  }
0x25: {  	[simem:s6], [sflag:s4] =	dma.local [hbm:s3], $0xF7A  }
0x26: {  	[smem:$0x3F9C] =	sst s1;
	(tag) =	ssettag s2;
	_ =	strace s9  }
0x27: {  	s1 =	sld [smem:$0x3FAC]  }
0x28: {  	s2 =	sld [smem:$0x3FAD]  }
0x29: {  	s4 =	sld [smem:$0x3FAF]  }
0x2a: {  	p0 =	seq.s32 s5, $0x0;
	s5 =	sld [smem:$0x3FB0]  }
0x2b: {  	s6 =	sld [smem:$0x3FB1]  }
0x2c: {  	s7 =	sld [smem:$0x3FB2]  }
0x2d: {  	s3 =	simm.s32 $0x108;
	s8 =	sld [smem:$0x3FB3]  }
0x2e: {  	s3 =	simm.s32 @!p0 $0x1082;
	s9 =	sld [smem:$0x3FB4]  }
0x2f: {  	lr =	sadd.s32 s0, s3;
	s0 =	sld [smem:$0x3FAB]  }
0x30: {  	s3 =	sld [smem:$0x3FAE]  }
0x31: {  	[smem:$0x3FB7] =	sst s10  }
0x32: {  	s10 =	sld [smem:$0x3FB5];
	_ =	sdelay $0x3  }
0x33: {  	p0 =	seq.s32 s10, $0x1;
	s10 =	sld [smem:$0x3FB7];
	_ =	sdelay $0x3  }
0x34: {  	[smem:$0x3FB7] =	sst s10  }
0x35: {  	s10 =	sld [smem:$0x3FB6];
	_ =	sdelay $0x3  }
0x36: {  	p1 =	seq.s32 s10, $0x1;
	s10 =	sld [smem:$0x3FB7];
	_ =	sdelay $0x3  }
0x37: {  	[smem:$0x3FB7] =	sst s10  }
0x38: {  	s10 =	sld [smem:$0x3FB8]  }
0x39: {  	_ = 	snop;
	(pc) =	sbr.ind lr, $3  }
0x3a: {  	_ = 	snop  }
0x3b: {  	_ = 	snop  }
0x3c: {  	p2 =	seq.s32 s10, $0x1;
	s10 =	sld [smem:$0x3FB7]  }
0x3d: {  	_ =	shalt  }
0x3e: {  	_ =	shalt  }
0x3f: {  	_ =	shalt  }
0x40: {  	_ =	shalt  }
0x41: {  	_ =	shalt  }
0x42: {  	_ =	shalt  }
0x43: {  	_ =	shalt  }
0x44: {  	_ =	shalt  }
0x45: {  	_ =	shalt  }
0x46: {  	_ =	shalt  }
0x47: {  	_ =	shalt  }
0x48: {  	_ =	shalt  }
0x49: {  	_ =	shalt  }
0x4a: {  	_ =	shalt  }
0x4b: {  	_ =	shalt  }
0x4c: {  	_ =	shalt  }
0x4d: {  	_ =	shalt  }
0x4e: {  	_ =	shalt  }
0x4f: {  	_ =	shalt  }
0x50: {  	_ =	shalt  }
0x51: {  	_ =	shalt  }
0x52: {  	_ =	shalt  }
0x53: {  	_ =	shalt  }
0x54: {  	_ =	shalt  }
0x55: {  	_ =	shalt  }
0x56: {  	_ =	shalt  }
0x57: {  	_ =	shalt  }
0x58: {  	_ =	shalt  }
0x59: {  	_ =	shalt  }
0x5a: {  	_ =	shalt  }
0x5b: {  	_ =	shalt  }
0x5c: {  	_ =	shalt  }
0x5d: {  	_ =	shalt  }
0x5e: {  	_ =	shalt  }
0x5f: {  	_ =	shalt  }
0x60: {  	_ =	shalt  }
0x61: {  	_ =	shalt  }
0x62: {  	_ =	shalt  }
0x63: {  	_ =	shalt  }
0x64: {  	_ =	shalt  }
0x65: {  	_ =	shalt  }
0x66: {  	_ =	shalt  }
0x67: {  	_ =	shalt  }
0x68: {  	_ =	shalt  }
0x69: {  	_ =	shalt  }
0x6a: {  	_ =	shalt  }
0x6b: {  	_ =	shalt  }
0x6c: {  	_ =	shalt  }
0x6d: {  	_ =	shalt  }
0x6e: {  	_ =	shalt  }
0x6f: {  	_ =	shalt  }
0x70: {  	_ =	shalt  }
0x71: {  	_ =	shalt  }
0x72: {  	_ =	shalt  }
0x73: {  	_ =	shalt  }
0x74: {  	_ =	shalt  }
0x75: {  	_ =	shalt  }
0x76: {  	_ =	shalt  }
0x77: {  	_ =	shalt  }
0x78: {  	_ =	shalt  }
0x79: {  	_ =	shalt  }
0x7a: {  	_ =	shalt  }
0x7b: {  	_ =	shalt  }
0x7c: {  	_ =	shalt  }
0x7d: {  	_ =	shalt  }
0x7e: {  	_ =	shalt  }
0x7f: {  	_ =	shalt  }
0x80: {  	_ =	shalt  }
0x81: {  	_ =	shalt  }
0x82: {  	_ =	shalt  }
0x83: {  	_ =	shalt  }
0x84: {  	_ =	shalt  }
0x85: {  	_ =	shalt  }
0x86: {  	_ =	shalt  }
0x87: {  	_ =	shalt  }
.Lfunc_end0:
.L_simem_size_0:
called_computation.2_lowered:
.L_overlay_start_0:
0x88: {  	s2 =	sld [smem:$0x3FD9]  }
0x89: {  	s3 =	sld [smem:$0x3FFE];
	_ =	sdelay $0x1  }
0x8a: {  	s1 =	srdreg.scid  }
0x8b: {  	s0 =	sand.u32 $0x1, s1  }
0x8c: {  	s15 =	sshll.u32 s0, $0xA;
	s2 =	sadd.s32 s3, s2  }
0x8d: {  	s2 =	sadd.s32 s2, s15  }
0x8e: {  	[smem:$0x3FC3] =	sst s2  }
0x8f: {  	_ = 	snop  }
0x90: {  	s2 =	sld [smem:$0x3FD0];
	_ =	sdelay $0x2  }
0x91: {  	s4 =	simm.s32 $0xB;
	s16 =	simm.s32 $0x10  }
0x92: {  	[smem:s16], [sflag:s4] =	dma.local [hbm:s2], $0x1  }
0x93: {  	_ =	swait.eq [sflag:s4], $0x1  }
0x94: {  	[sflag:s4] =	ssyncset.done $0x0  }
0x95: {  	s17 =	sld [smem:$0x10];
	[sflag:s4] =	ssyncadd.s32 $0xFFFFFFFF  }
0x96: {  	s18 =	sld [smem:$0x11];
	(tm) =	ssettm $0x1  }
0x97: {  	s19 =	sld [smem:$0x3FFB];
	_ =	sdelay $0x3  }
0x98: {  	_ =	strace s19  }
0x99: {  	s2 =	sld [smem:$0x3FFC];
	_ =	sdelay $0x3  }
0x9a: {  	_ =	strace s2  }
0x9b: {  	s2 =	sld [smem:$0x3FFD];
	_ =	sdelay $0x3  }
0x9c: {  	_ =	strace s2  }
0x9d: {  	_ =	strace $0x8FFFFFFF  }
0x9e: {  	s20 =	sld [smem:$0x3FDB];
	_ =	sdelay $0x1  }
0x9f: {  	s5 =	simm.s32 $_scs_section_size  }
0xa0: {  	s6 =	simm.s32 $_size__tile_overlayer_lowered;
	s7 =	simm.s32 $_tile_overlayer_lowered  }
0xa1: {  	s8 =	simm.s32 $0x1BFF;
	s21 =	sshll.u32 s7, $0x1;
	s5 =	sadd.s32 s5, s20  }
0xa2: {  	s22 =	simm.s32 $0x0;
	s6 =	sshll.u32 s6, $0x1;
	s7 =	sadd.s32 s21, s5  }
0xa3: {  	[timem:s22], [sflag:s8] =	dma.local [hbm:s7], s6  }
0xa4: {  	_ =	swait.ge [sflag:s8], s6  }
0xa5: {  	s6 =	ssub.s32 $0x0, s6;
	[sflag:s8] =	ssyncset.done $0x0  }
0xa6: {  	[sflag:s8] =	ssyncadd.s32 s6;
	_ =	sdelay $0x1  }
0xa7: {  	s23 =	simm.s32 $0x1B8B  }
0xa8: {  	_ =	swait.ge [sflag:s23], $0x1  }
0xa9: {  	[sflag:s23] =	ssyncset.done $0x0  }
0xaa: {  	[sflag:s23] =	ssyncadd.s32 $0xFFFFFFFF  }
0xab: {  	s6 =	sld [smem:$0x0]  }
0xac: {  	s7 =	sand.u32 $0xFFFFFFFE, s1  }
0xad: {  	p0 =	sne.s32 s1, s7  }
0xae: {  	s7 =	sshll.u32 @p0 s7, $0xE  }
0xaf: {  	s7 =	sadd.s32 @p0 $0x11B8D, s7;
	s8 =	sshll.u32 @p0 s6, $0x11  }
0xb0: {  	s7 =	sor.u32 @p0 s8, s7  }
0xb1: {  	[sflag:s7] =	ssyncadd.remote.s32 @p0 $0x1;
	_ =	sdelay $0x1  }
0xb2: {  	s7 =	simm.s32 @p0 $0x1B8D  }
0xb3: {  	_ =	swait.eq @p0 [sflag:s7], $0x1  }
0xb4: {  	[sflag:s7] =	ssyncadd.s32 @p0 $0xFFFFFFFF  }
0xb5: {  	s8 =	sshll.u32 @!p0 s1, $0xE  }
0xb6: {  	s8 =	sor.u32 @!p0 $0x4000, s8;
	s7 =	simm.s32 @!p0 $0x1B8D  }
0xb7: {  	s6 =	sshll.u32 @!p0 s6, $0x11;
	s8 =	sadd.s32 @!p0 $0x11B8D, s8;
	_ =	swait.eq @!p0 [sflag:s7], $0x1  }
0xb8: {  	s6 =	sor.u32 @!p0 s6, s8;
	[sflag:s7] =	ssyncadd.s32 @!p0 $0xFFFFFFFF  }
0xb9: {  	s25 =	simm.s32 $0x1B8E;
	s24 =	sld [smem:$0x3FFE];
	[sflag:s6] =	ssyncadd.remote.s32 @!p0 $0x1  }
0xba: {  	s26 =	simm.s32 $execute0_lowered;
	[smem:$0x3FD2] =	sst s25  }
0xbb: {  	s7 =	sshll.u32 s26, $0x1;
	_ =	strace $0x8000004C;
	[dreg:$0x1] =	wrdreg $0xFFFFFFFF  }
0xbc: {  	s28 =	simm.s32 $_size_execute0_lowered;
	s5 =	sadd.s32 s5, s7;
	[dreg:$0x0] =	wrdreg $0x0  }
0xbd: {  	s7 =	sshll.u32 s28, $0x1;
	[dreg:$0x2] =	wrdreg s5  }
0xbe: {  	[dreg:$0x3] =	wrdreg s7  }
0xbf: {  	[dreg:$0x4] =	wrdreg $0xC0  }
0xc0: {  	_ =	task [dreg:s22], $0x5FFFF  }
0xc1: {  	[dreg:$0x1] =	wrdreg $0xFFFFFFFF  }
0xc2: {  	[dreg:$0x0] =	wrdreg $0x60  }
0xc3: {  	[dreg:$0x2] =	wrdreg s24  }
0xc4: {  	[dreg:$0x3] =	wrdreg s18  }
0xc5: {  	[dreg:$0x4] =	wrdreg s17  }
0xc6: {  	[dreg:$0x5] =	wrdreg $0xA  }
0xc7: {  	_ =	task.clear_ibuf [dreg:s22], $0x6FFFF;
	_ =	strace $0x9000004C  }
0xc8: {  	s29 =	simm.s32 $0xA;
	_ =	strace $0x8000004E  }
0xc9: {  	_ =	swait.ge [sflag:s29], $0x1  }
0xca: {  	[sflag:s29] =	ssyncadd.s32 $0xFFFFFFFF  }
0xcb: {  	_ =	strace $0x9000004E  }
0xcc: {  	_ =	sfence  }
0xcd: {  	s30 =	sld [smem:$0x0];
	_ =	sdelay $0x2  }
0xce: {  	s31 =	sshll.u32 s1, $0xD;
	s1 =	sshrl.u32 s1, $0x2  }
0xcf: {  	s4 =	sand.u32 $0x4000, s31;
	s1 =	sadd.s32 s1, s30  }
0xd0: {  	s0 =	sor.u32 s4, s0;
	s1 =	sshll.u32 s1, $0x11  }
0xd1: {  	s0 =	sor.u32 s1, s0  }
0xd2: {  	s0 =	sadd.s32 $0x8F2B, s0  }
0xd3: {  	[sflag:s0] =	ssyncadd.remote.s32 $0x1  }
0xd4: {  	_ =	sfence.sel $0xFFFF  }
0xd5: {  	[dreg:$0x0] =	wrdreg $0xFFFFFFFF;
	(pc) =	sbr.abs _section_cstart, $3  }
0xd6: {  	[dreg:$0x1] =	wrdreg $0xFFFFFFFF  }
0xd7: {  	_ =	task.clear_ibuf [dreg:s22], $0x2FFFF;
	_ =	strace $0x9FFFFFFF  }
0xd8: {  	(tm) =	ssettm $0x7FFFFFFF  }
0xd9: {  	_ =	shalt  }
tec
execute0_lowered:
.L_overlay_start_1:
0x0: {  	(tag) =	ssettag $0x1  }
0x1: {  	s0 =	rddreg [dreg:$0x0]  }
0x2: {  	s2 =	rddreg [dreg:$0x1]  }
0x3: {  	s3 =	rddreg [dreg:$0x2];
	s1 =	srdreg.scid  }
0x4: {  	s4 =	stileid.u32;
	s5 =	simm.s32 $0x0;
	s22 =	simm.s32 $0x80  }
0x5: {  	s23 =	simm.s32 $0x400;
	s24 =	simm.s32 $0x1;
	s25 =	simm.s32 $0x800  }
0x6: {  	s26 =	simm.s32 $0x1800;
	s28 =	simm.s32 $0x0;
	s1 =	sand.u32 $0x1, s1  }
0x7: {  	s4 =	sshll.u32 s4, $0x1;
	[smem:$0x7FF] =	sst s5;
	s6 =	sadd.s32 $0x602000, s0  }
0x8: {  	s9 =	sadd.s32 $0x20, s2;
	s11 =	sadd.s32 $0x30, s2;
	s13 =	sadd.s32 $0x40, s2  }
0x9: {  	s15 =	sadd.s32 $0x50, s2;
	s7 =	ssub.s32 $0x2, s1;
	s1 =	sor.u32 s1, s4  }
0xa: {  	s17 =	sadd.s32 $0x60, s2;
	s30 =	sshrl.u32 s7, $0x1;
	s5 =	smul.u32 $0x18, s1  }
0xb: {  	s19 =	sadd.s32 $0x70, s2;
	_ =	strace $0x8000004D;
	s31 =	ssub.s32 s7, s30  }
0xc: {  	s7 =	sadd.s32 $0x10, s2;
	s8 =	sadd.s32 $0x300, s5;
	s10 =	sadd.s32 $0x600, s5  }
0xd: {  	s12 =	sadd.s32 $0x900, s5;
	s14 =	sor.u32 $0xC00, s5;
	s16 =	sadd.s32 $0xF00, s5  }
0xe: {  	s18 =	sadd.s32 $0x1200, s5;
	s20 =	sadd.s32 $0x1500, s5;
	s21 =	smax.u32 s31, $0x1  }
.LBB2_1:
0xf: {  	s0 =	simm.s32 $0x0  }
0x10: {  	[tilespmem:s0], [sflag:$0x1] =	stream.strided.gather [hbm4b:s2+s22], $0x800, s23, s22, $0x38;
	[tilespmem:$0x2000] =	vst v63  }
0x11: {  	_ =	swait.ge [sflag:s24], $0x800  }
0x12: {  	[sflag:s24] =	ssyncset.done $0x0  }
0x13: {  	s29 =	simm.s32 $0x0;
	[sflag:s24] =	ssyncadd.s32 $0xFFFFF800  }
.LBB2_2:
0x14: {  	s0 =	sadd.s32 s5, s29  }
0x15: {  	s1 =	sshll.u32 s29, $0x7;
	s30 =	sshrl.u32 s0, $0x3  }
0x16: {  	s31 =	sand.u32 $0x380, s1;
	s4 =	sshll.u32 s30, $0xF  }
0x17: {  	s0 =	sor.u32 s31, s4  }
0x18: {  	s0 =	sshrl.u32 s0, $0x3  }
0x19: {  	s0 =	sadd.s32 s6, s0  }
0x1a: {  	[tilespmem:s25], [sflag:$0x1] =	stream.strided.gather [hbm4b:s0+s22], $0x1000, s23, s22, $0x38;
	[tilespmem:$0x2000] =	vst v63  }
0x1b: {  	_ =	swait.ge [sflag:s24], $0x1000  }
0x1c: {  	[sflag:s24] =	ssyncset.done $0x0  }
0x1d: {  	s0 =	simm.s32 $0x0;
	[sflag:s24] =	ssyncadd.s32 $0xFFFFF000  }
0x1e: {  	v0 =	vld [tilespmem:s0+$0x0];
	_ =	sdelay $0x7  }
0x1f: {  	s1 =	simm.s32 $0x10;
	s4 =	simm.s32 $0x80;
	v0 =	vld.idx.msk [tilespmem:v0+s25+$0x0], $0xffff  }
.LBB2_3:
0x20: {  	p0 =	sne.s32 s4, $0x1FC0;
	v1 =	vld [tilespmem:s1+$0x0];
	_ =	sdelay $0x3  }
.Ltmp0:
0x21: {  	(pc) =	sbr.rel @p0 .LBB2_3-.Ltmp0, $2  }
0x22: {  	[tilespmem:s0+$0x1800] =	vst v0;
	s0 =	smov.u32 s1;
	_ =	sdelay $0x2  }
0x23: {  	s1 =	sshra.s32 s4, $0x2;
	s4 =	sadd.s32 $0x40, s4;
	v0 =	vld.idx.msk [tilespmem:v1+s25+$0x0], $0xffff  }
0x24: {  	v1 =	vld [tilespmem:s1+$0x0];
	_ =	sdelay $0x6  }
0x25: {  	[tilespmem:s0+$0x1800] =	vst v0  }
0x26: {  	v0 =	vld.idx.msk [tilespmem:v1+s25+$0x0], $0xffff;
	_ =	sdelay $0x1  }
0x27: {  	s30 =	sshll.u32 s30, $0xE  }
0x28: {  	s29 =	sadd.s32 $0x1, s29;
	s0 =	sor.u32 s31, s30  }
0x29: {  	p0 =	sne.s32 s29, $0x18;
	s0 =	sshrl.u32 s0, $0x3  }
.Ltmp1:
0x2a: {  	s0 =	sadd.s32 s3, s0;
	[tilespmem:s1+$0x1800] =	vst v0;
	(pc) =	sbr.rel @p0 .LBB2_2-.Ltmp1, $4  }
0x2b: {  	[hbm4b:s0+s22] =	stream.strided.scatter [tilespmem:s26], [sflag:$0x1], $0x800, s23, s22, $0x38;
	[tilespmem:$0x2000] =	vst v63  }
0x2c: {  	_ =	swait.ge [sflag:s24], $0x800  }
0x2d: {  	[sflag:s24] =	ssyncset.done $0x0  }
0x2e: {  	[sflag:s24] =	ssyncadd.s32 $0xFFFFF800  }
0x2f: {  	s29 =	simm.s32 $0x0  }
0x30: {  	[tilespmem:s29], [sflag:$0x1] =	stream.strided.gather [hbm4b:s7+s22], $0x800, s23, s22, $0x38;
	[tilespmem:$0x2000] =	vst v63  }
0x31: {  	_ =	swait.ge [sflag:s24], $0x800  }
0x32: {  	[sflag:s24] =	ssyncset.done $0x0  }
0x33: {  	[sflag:s24] =	ssyncadd.s32 $0xFFFFF800  }
.LBB2_6:
0x34: {  	s0 =	sadd.s32 s29, s8  }
0x35: {  	s1 =	sshll.u32 s29, $0x7;
	s30 =	sshrl.u32 s0, $0x3  }
0x36: {  	s31 =	sand.u32 $0x380, s1;
	s4 =	sshll.u32 s30, $0xF  }
0x37: {  	s0 =	sor.u32 s31, s4  }
0x38: {  	s0 =	sshrl.u32 s0, $0x3  }
0x39: {  	s0 =	sadd.s32 s6, s0  }
0x3a: {  	[tilespmem:s25], [sflag:$0x1] =	stream.strided.gather [hbm4b:s0+s22], $0x1000, s23, s22, $0x38;
	[tilespmem:$0x2000] =	vst v63  }
0x3b: {  	_ =	swait.ge [sflag:s24], $0x1000  }
0x3c: {  	[sflag:s24] =	ssyncset.done $0x0  }
0x3d: {  	s0 =	simm.s32 $0x0;
	[sflag:s24] =	ssyncadd.s32 $0xFFFFF000  }
0x3e: {  	v0 =	vld [tilespmem:s0+$0x0];
	_ =	sdelay $0x7  }
0x3f: {  	s1 =	simm.s32 $0x10;
	s4 =	simm.s32 $0x80;
	v0 =	vld.idx.msk [tilespmem:v0+s25+$0x0], $0xffff  }
.LBB2_7:
0x40: {  	p0 =	sne.s32 s4, $0x1FC0;
	v1 =	vld [tilespmem:s1+$0x0];
	_ =	sdelay $0x3  }
.Ltmp2:
0x41: {  	(pc) =	sbr.rel @p0 .LBB2_7-.Ltmp2, $2  }
0x42: {  	[tilespmem:s0+$0x1800] =	vst v0;
	s0 =	smov.u32 s1;
	_ =	sdelay $0x2  }
0x43: {  	s1 =	sshra.s32 s4, $0x2;
	s4 =	sadd.s32 $0x40, s4;
	v0 =	vld.idx.msk [tilespmem:v1+s25+$0x0], $0xffff  }
0x44: {  	v1 =	vld [tilespmem:s1+$0x0];
	_ =	sdelay $0x6  }
0x45: {  	[tilespmem:s0+$0x1800] =	vst v0  }
0x46: {  	v0 =	vld.idx.msk [tilespmem:v1+s25+$0x0], $0xffff;
	_ =	sdelay $0x1  }
0x47: {  	s30 =	sshll.u32 s30, $0xE  }
0x48: {  	s29 =	sadd.s32 $0x1, s29;
	s0 =	sor.u32 s31, s30  }
0x49: {  	p0 =	sne.s32 s29, $0x18;
	s0 =	sshrl.u32 s0, $0x3  }
.Ltmp3:
0x4a: {  	s0 =	sadd.s32 s3, s0;
	[tilespmem:s1+$0x1800] =	vst v0;
	(pc) =	sbr.rel @p0 .LBB2_6-.Ltmp3, $4  }
0x4b: {  	[hbm4b:s0+s22] =	stream.strided.scatter [tilespmem:s26], [sflag:$0x1], $0x800, s23, s22, $0x38;
	[tilespmem:$0x2000] =	vst v63  }
0x4c: {  	_ =	swait.ge [sflag:s24], $0x800  }
0x4d: {  	[sflag:s24] =	ssyncset.done $0x0  }
0x4e: {  	[sflag:s24] =	ssyncadd.s32 $0xFFFFF800  }
0x4f: {  	s29 =	simm.s32 $0x0  }
0x50: {  	[tilespmem:s29], [sflag:$0x1] =	stream.strided.gather [hbm4b:s9+s22], $0x800, s23, s22, $0x38;
	[tilespmem:$0x2000] =	vst v63  }
0x51: {  	_ =	swait.ge [sflag:s24], $0x800  }
0x52: {  	[sflag:s24] =	ssyncset.done $0x0  }
0x53: {  	[sflag:s24] =	ssyncadd.s32 $0xFFFFF800  }
.LBB2_10:
0x54: {  	s0 =	sadd.s32 s29, s10  }
0x55: {  	s1 =	sshll.u32 s29, $0x7;
	s30 =	sshrl.u32 s0, $0x3  }
0x56: {  	s31 =	sand.u32 $0x380, s1;
	s4 =	sshll.u32 s30, $0xF  }
0x57: {  	s0 =	sor.u32 s31, s4  }
0x58: {  	s0 =	sshrl.u32 s0, $0x3  }
0x59: {  	s0 =	sadd.s32 s6, s0  }
0x5a: {  	[tilespmem:s25], [sflag:$0x1] =	stream.strided.gather [hbm4b:s0+s22], $0x1000, s23, s22, $0x38;
	[tilespmem:$0x2000] =	vst v63  }
0x5b: {  	_ =	swait.ge [sflag:s24], $0x1000  }
0x5c: {  	[sflag:s24] =	ssyncset.done $0x0  }
0x5d: {  	s0 =	simm.s32 $0x0;
	[sflag:s24] =	ssyncadd.s32 $0xFFFFF000  }
0x5e: {  	v0 =	vld [tilespmem:s0+$0x0];
	_ =	sdelay $0x7  }
0x5f: {  	s1 =	simm.s32 $0x10;
	s4 =	simm.s32 $0x80;
	v0 =	vld.idx.msk [tilespmem:v0+s25+$0x0], $0xffff  }
.LBB2_11:
0x60: {  	p0 =	sne.s32 s4, $0x1FC0;
	v1 =	vld [tilespmem:s1+$0x0];
	_ =	sdelay $0x3  }
.Ltmp4:
0x61: {  	(pc) =	sbr.rel @p0 .LBB2_11-.Ltmp4, $2  }
0x62: {  	[tilespmem:s0+$0x1800] =	vst v0;
	s0 =	smov.u32 s1;
	_ =	sdelay $0x2  }
0x63: {  	s1 =	sshra.s32 s4, $0x2;
	s4 =	sadd.s32 $0x40, s4;
	v0 =	vld.idx.msk [tilespmem:v1+s25+$0x0], $0xffff  }
0x64: {  	v1 =	vld [tilespmem:s1+$0x0];
	_ =	sdelay $0x6  }
0x65: {  	[tilespmem:s0+$0x1800] =	vst v0  }
0x66: {  	v0 =	vld.idx.msk [tilespmem:v1+s25+$0x0], $0xffff;
	_ =	sdelay $0x1  }
0x67: {  	s30 =	sshll.u32 s30, $0xE  }
0x68: {  	s29 =	sadd.s32 $0x1, s29;
	s0 =	sor.u32 s31, s30  }
0x69: {  	p0 =	sne.s32 s29, $0x18;
	s0 =	sshrl.u32 s0, $0x3  }
.Ltmp5:
0x6a: {  	s0 =	sadd.s32 s3, s0;
	[tilespmem:s1+$0x1800] =	vst v0;
	(pc) =	sbr.rel @p0 .LBB2_10-.Ltmp5, $4  }
0x6b: {  	[hbm4b:s0+s22] =	stream.strided.scatter [tilespmem:s26], [sflag:$0x1], $0x800, s23, s22, $0x38;
	[tilespmem:$0x2000] =	vst v63  }
0x6c: {  	_ =	swait.ge [sflag:s24], $0x800  }
0x6d: {  	[sflag:s24] =	ssyncset.done $0x0  }
0x6e: {  	[sflag:s24] =	ssyncadd.s32 $0xFFFFF800  }
0x6f: {  	s29 =	simm.s32 $0x0  }
0x70: {  	[tilespmem:s29], [sflag:$0x1] =	stream.strided.gather [hbm4b:s11+s22], $0x800, s23, s22, $0x38;
	[tilespmem:$0x2000] =	vst v63  }
0x71: {  	_ =	swait.ge [sflag:s24], $0x800  }
0x72: {  	[sflag:s24] =	ssyncset.done $0x0  }
0x73: {  	[sflag:s24] =	ssyncadd.s32 $0xFFFFF800  }
.LBB2_14:
0x74: {  	s0 =	sadd.s32 s29, s12  }
0x75: {  	s1 =	sshll.u32 s29, $0x7;
	s30 =	sshrl.u32 s0, $0x3  }
0x76: {  	s31 =	sand.u32 $0x380, s1;
	s4 =	sshll.u32 s30, $0xF  }
0x77: {  	s0 =	sor.u32 s31, s4  }
0x78: {  	s0 =	sshrl.u32 s0, $0x3  }
0x79: {  	s0 =	sadd.s32 s6, s0  }
0x7a: {  	[tilespmem:s25], [sflag:$0x1] =	stream.strided.gather [hbm4b:s0+s22], $0x1000, s23, s22, $0x38;
	[tilespmem:$0x2000] =	vst v63  }
0x7b: {  	_ =	swait.ge [sflag:s24], $0x1000  }
0x7c: {  	[sflag:s24] =	ssyncset.done $0x0  }
0x7d: {  	s0 =	simm.s32 $0x0;
	[sflag:s24] =	ssyncadd.s32 $0xFFFFF000  }
0x7e: {  	v0 =	vld [tilespmem:s0+$0x0];
	_ =	sdelay $0x7  }
0x7f: {  	s1 =	simm.s32 $0x10;
	s4 =	simm.s32 $0x80;
	v0 =	vld.idx.msk [tilespmem:v0+s25+$0x0], $0xffff  }
.LBB2_15:
0x80: {  	p0 =	sne.s32 s4, $0x1FC0;
	v1 =	vld [tilespmem:s1+$0x0];
	_ =	sdelay $0x3  }
.Ltmp6:
0x81: {  	(pc) =	sbr.rel @p0 .LBB2_15-.Ltmp6, $2  }
0x82: {  	[tilespmem:s0+$0x1800] =	vst v0;
	s0 =	smov.u32 s1;
	_ =	sdelay $0x2  }
0x83: {  	s1 =	sshra.s32 s4, $0x2;
	s4 =	sadd.s32 $0x40, s4;
	v0 =	vld.idx.msk [tilespmem:v1+s25+$0x0], $0xffff  }
0x84: {  	v1 =	vld [tilespmem:s1+$0x0];
	_ =	sdelay $0x6  }
0x85: {  	[tilespmem:s0+$0x1800] =	vst v0  }
0x86: {  	v0 =	vld.idx.msk [tilespmem:v1+s25+$0x0], $0xffff;
	_ =	sdelay $0x1  }
0x87: {  	s30 =	sshll.u32 s30, $0xE  }
0x88: {  	s29 =	sadd.s32 $0x1, s29;
	s0 =	sor.u32 s31, s30  }
0x89: {  	p0 =	sne.s32 s29, $0x18;
	s0 =	sshrl.u32 s0, $0x3  }
.Ltmp7:
0x8a: {  	s0 =	sadd.s32 s3, s0;
	[tilespmem:s1+$0x1800] =	vst v0;
	(pc) =	sbr.rel @p0 .LBB2_14-.Ltmp7, $4  }
0x8b: {  	[hbm4b:s0+s22] =	stream.strided.scatter [tilespmem:s26], [sflag:$0x1], $0x800, s23, s22, $0x38;
	[tilespmem:$0x2000] =	vst v63  }
0x8c: {  	_ =	swait.ge [sflag:s24], $0x800  }
0x8d: {  	[sflag:s24] =	ssyncset.done $0x0  }
0x8e: {  	[sflag:s24] =	ssyncadd.s32 $0xFFFFF800  }
0x8f: {  	s29 =	simm.s32 $0x0  }
0x90: {  	[tilespmem:s29], [sflag:$0x1] =	stream.strided.gather [hbm4b:s13+s22], $0x800, s23, s22, $0x38;
	[tilespmem:$0x2000] =	vst v63  }
0x91: {  	_ =	swait.ge [sflag:s24], $0x800  }
0x92: {  	[sflag:s24] =	ssyncset.done $0x0  }
0x93: {  	[sflag:s24] =	ssyncadd.s32 $0xFFFFF800  }
.LBB2_18:
0x94: {  	s0 =	sadd.s32 s29, s14  }
0x95: {  	s1 =	sshll.u32 s29, $0x7;
	s30 =	sshrl.u32 s0, $0x3  }
0x96: {  	s31 =	sand.u32 $0x380, s1;
	s4 =	sshll.u32 s30, $0xF  }
0x97: {  	s0 =	sor.u32 s31, s4  }
0x98: {  	s0 =	sshrl.u32 s0, $0x3  }
0x99: {  	s0 =	sadd.s32 s6, s0  }
0x9a: {  	[tilespmem:s25], [sflag:$0x1] =	stream.strided.gather [hbm4b:s0+s22], $0x1000, s23, s22, $0x38;
	[tilespmem:$0x2000] =	vst v63  }
0x9b: {  	_ =	swait.ge [sflag:s24], $0x1000  }
0x9c: {  	[sflag:s24] =	ssyncset.done $0x0  }
0x9d: {  	s0 =	simm.s32 $0x0;
	[sflag:s24] =	ssyncadd.s32 $0xFFFFF000  }
0x9e: {  	v0 =	vld [tilespmem:s0+$0x0];
	_ =	sdelay $0x7  }
0x9f: {  	s1 =	simm.s32 $0x10;
	s4 =	simm.s32 $0x80;
	v0 =	vld.idx.msk [tilespmem:v0+s25+$0x0], $0xffff  }
.LBB2_19:
0xa0: {  	p0 =	sne.s32 s4, $0x1FC0;
	v1 =	vld [tilespmem:s1+$0x0];
	_ =	sdelay $0x3  }
.Ltmp8:
0xa1: {  	(pc) =	sbr.rel @p0 .LBB2_19-.Ltmp8, $2  }
0xa2: {  	[tilespmem:s0+$0x1800] =	vst v0;
	s0 =	smov.u32 s1;
	_ =	sdelay $0x2  }
0xa3: {  	s1 =	sshra.s32 s4, $0x2;
	s4 =	sadd.s32 $0x40, s4;
	v0 =	vld.idx.msk [tilespmem:v1+s25+$0x0], $0xffff  }
0xa4: {  	v1 =	vld [tilespmem:s1+$0x0];
	_ =	sdelay $0x6  }
0xa5: {  	[tilespmem:s0+$0x1800] =	vst v0  }
0xa6: {  	v0 =	vld.idx.msk [tilespmem:v1+s25+$0x0], $0xffff;
	_ =	sdelay $0x1  }
0xa7: {  	s30 =	sshll.u32 s30, $0xE  }
0xa8: {  	s29 =	sadd.s32 $0x1, s29;
	s0 =	sor.u32 s31, s30  }
0xa9: {  	p0 =	sne.s32 s29, $0x18;
	s0 =	sshrl.u32 s0, $0x3  }
.Ltmp9:
0xaa: {  	s0 =	sadd.s32 s3, s0;
	[tilespmem:s1+$0x1800] =	vst v0;
	(pc) =	sbr.rel @p0 .LBB2_18-.Ltmp9, $4  }
0xab: {  	[hbm4b:s0+s22] =	stream.strided.scatter [tilespmem:s26], [sflag:$0x1], $0x800, s23, s22, $0x38;
	[tilespmem:$0x2000] =	vst v63  }
0xac: {  	_ =	swait.ge [sflag:s24], $0x800  }
0xad: {  	[sflag:s24] =	ssyncset.done $0x0  }
0xae: {  	[sflag:s24] =	ssyncadd.s32 $0xFFFFF800  }
0xaf: {  	s29 =	simm.s32 $0x0  }
0xb0: {  	[tilespmem:s29], [sflag:$0x1] =	stream.strided.gather [hbm4b:s15+s22], $0x800, s23, s22, $0x38;
	[tilespmem:$0x2000] =	vst v63  }
0xb1: {  	_ =	swait.ge [sflag:s24], $0x800  }
0xb2: {  	[sflag:s24] =	ssyncset.done $0x0  }
0xb3: {  	[sflag:s24] =	ssyncadd.s32 $0xFFFFF800  }
.LBB2_22:
0xb4: {  	s0 =	sadd.s32 s29, s16  }
0xb5: {  	s1 =	sshll.u32 s29, $0x7;
	s30 =	sshrl.u32 s0, $0x3  }
0xb6: {  	s31 =	sand.u32 $0x380, s1;
	s4 =	sshll.u32 s30, $0xF  }
0xb7: {  	s0 =	sor.u32 s31, s4  }
0xb8: {  	s0 =	sshrl.u32 s0, $0x3  }
0xb9: {  	s0 =	sadd.s32 s6, s0  }
0xba: {  	[tilespmem:s25], [sflag:$0x1] =	stream.strided.gather [hbm4b:s0+s22], $0x1000, s23, s22, $0x38;
	[tilespmem:$0x2000] =	vst v63  }
0xbb: {  	_ =	swait.ge [sflag:s24], $0x1000  }
0xbc: {  	[sflag:s24] =	ssyncset.done $0x0  }
0xbd: {  	s0 =	simm.s32 $0x0;
	[sflag:s24] =	ssyncadd.s32 $0xFFFFF000  }
0xbe: {  	v0 =	vld [tilespmem:s0+$0x0];
	_ =	sdelay $0x7  }
0xbf: {  	s1 =	simm.s32 $0x10;
	s4 =	simm.s32 $0x80;
	v0 =	vld.idx.msk [tilespmem:v0+s25+$0x0], $0xffff  }
.LBB2_23:
0xc0: {  	p0 =	sne.s32 s4, $0x1FC0;
	v1 =	vld [tilespmem:s1+$0x0];
	_ =	sdelay $0x3  }
.Ltmp10:
0xc1: {  	(pc) =	sbr.rel @p0 .LBB2_23-.Ltmp10, $2  }
0xc2: {  	[tilespmem:s0+$0x1800] =	vst v0;
	s0 =	smov.u32 s1;
	_ =	sdelay $0x2  }
0xc3: {  	s1 =	sshra.s32 s4, $0x2;
	s4 =	sadd.s32 $0x40, s4;
	v0 =	vld.idx.msk [tilespmem:v1+s25+$0x0], $0xffff  }
0xc4: {  	v1 =	vld [tilespmem:s1+$0x0];
	_ =	sdelay $0x6  }
0xc5: {  	[tilespmem:s0+$0x1800] =	vst v0  }
0xc6: {  	v0 =	vld.idx.msk [tilespmem:v1+s25+$0x0], $0xffff;
	_ =	sdelay $0x1  }
0xc7: {  	s30 =	sshll.u32 s30, $0xE  }
0xc8: {  	s29 =	sadd.s32 $0x1, s29;
	s0 =	sor.u32 s31, s30  }
0xc9: {  	p0 =	sne.s32 s29, $0x18;
	s0 =	sshrl.u32 s0, $0x3  }
.Ltmp11:
0xca: {  	s0 =	sadd.s32 s3, s0;
	[tilespmem:s1+$0x1800] =	vst v0;
	(pc) =	sbr.rel @p0 .LBB2_22-.Ltmp11, $4  }
0xcb: {  	[hbm4b:s0+s22] =	stream.strided.scatter [tilespmem:s26], [sflag:$0x1], $0x800, s23, s22, $0x38;
	[tilespmem:$0x2000] =	vst v63  }
0xcc: {  	_ =	swait.ge [sflag:s24], $0x800  }
0xcd: {  	[sflag:s24] =	ssyncset.done $0x0  }
0xce: {  	[sflag:s24] =	ssyncadd.s32 $0xFFFFF800  }
0xcf: {  	s29 =	simm.s32 $0x0  }
0xd0: {  	[tilespmem:s29], [sflag:$0x1] =	stream.strided.gather [hbm4b:s17+s22], $0x800, s23, s22, $0x38;
	[tilespmem:$0x2000] =	vst v63  }
0xd1: {  	_ =	swait.ge [sflag:s24], $0x800  }
0xd2: {  	[sflag:s24] =	ssyncset.done $0x0  }
0xd3: {  	[sflag:s24] =	ssyncadd.s32 $0xFFFFF800  }
.LBB2_26:
0xd4: {  	s0 =	sadd.s32 s29, s18  }
0xd5: {  	s1 =	sshll.u32 s29, $0x7;
	s30 =	sshrl.u32 s0, $0x3  }
0xd6: {  	s31 =	sand.u32 $0x380, s1;
	s4 =	sshll.u32 s30, $0xF  }
0xd7: {  	s0 =	sor.u32 s31, s4  }
0xd8: {  	s0 =	sshrl.u32 s0, $0x3  }
0xd9: {  	s0 =	sadd.s32 s6, s0  }
0xda: {  	[tilespmem:s25], [sflag:$0x1] =	stream.strided.gather [hbm4b:s0+s22], $0x1000, s23, s22, $0x38;
	[tilespmem:$0x2000] =	vst v63  }
0xdb: {  	_ =	swait.ge [sflag:s24], $0x1000  }
0xdc: {  	[sflag:s24] =	ssyncset.done $0x0  }
0xdd: {  	s0 =	simm.s32 $0x0;
	[sflag:s24] =	ssyncadd.s32 $0xFFFFF000  }
0xde: {  	v0 =	vld [tilespmem:s0+$0x0];
	_ =	sdelay $0x7  }
0xdf: {  	s1 =	simm.s32 $0x10;
	s4 =	simm.s32 $0x80;
	v0 =	vld.idx.msk [tilespmem:v0+s25+$0x0], $0xffff  }
.LBB2_27:
0xe0: {  	p0 =	sne.s32 s4, $0x1FC0;
	v1 =	vld [tilespmem:s1+$0x0];
	_ =	sdelay $0x3  }
.Ltmp12:
0xe1: {  	(pc) =	sbr.rel @p0 .LBB2_27-.Ltmp12, $2  }
0xe2: {  	[tilespmem:s0+$0x1800] =	vst v0;
	s0 =	smov.u32 s1;
	_ =	sdelay $0x2  }
0xe3: {  	s1 =	sshra.s32 s4, $0x2;
	s4 =	sadd.s32 $0x40, s4;
	v0 =	vld.idx.msk [tilespmem:v1+s25+$0x0], $0xffff  }
0xe4: {  	v1 =	vld [tilespmem:s1+$0x0];
	_ =	sdelay $0x6  }
0xe5: {  	[tilespmem:s0+$0x1800] =	vst v0  }
0xe6: {  	v0 =	vld.idx.msk [tilespmem:v1+s25+$0x0], $0xffff;
	_ =	sdelay $0x1  }
0xe7: {  	s30 =	sshll.u32 s30, $0xE  }
0xe8: {  	s29 =	sadd.s32 $0x1, s29;
	s0 =	sor.u32 s31, s30  }
0xe9: {  	p0 =	sne.s32 s29, $0x18;
	s0 =	sshrl.u32 s0, $0x3  }
.Ltmp13:
0xea: {  	s0 =	sadd.s32 s3, s0;
	[tilespmem:s1+$0x1800] =	vst v0;
	(pc) =	sbr.rel @p0 .LBB2_26-.Ltmp13, $4  }
0xeb: {  	[hbm4b:s0+s22] =	stream.strided.scatter [tilespmem:s26], [sflag:$0x1], $0x800, s23, s22, $0x38;
	[tilespmem:$0x2000] =	vst v63  }
0xec: {  	_ =	swait.ge [sflag:s24], $0x800  }
0xed: {  	[sflag:s24] =	ssyncset.done $0x0  }
0xee: {  	[sflag:s24] =	ssyncadd.s32 $0xFFFFF800  }
0xef: {  	s29 =	simm.s32 $0x0  }
0xf0: {  	[tilespmem:s29], [sflag:$0x1] =	stream.strided.gather [hbm4b:s19+s22], $0x800, s23, s22, $0x38;
	[tilespmem:$0x2000] =	vst v63  }
0xf1: {  	_ =	swait.ge [sflag:s24], $0x800  }
0xf2: {  	[sflag:s24] =	ssyncset.done $0x0  }
0xf3: {  	[sflag:s24] =	ssyncadd.s32 $0xFFFFF800  }
.LBB2_30:
0xf4: {  	s0 =	sadd.s32 s29, s20  }
0xf5: {  	s1 =	sshll.u32 s29, $0x7;
	s30 =	sshrl.u32 s0, $0x3  }
0xf6: {  	s31 =	sand.u32 $0x380, s1;
	s4 =	sshll.u32 s30, $0xF  }
0xf7: {  	s0 =	sor.u32 s31, s4  }
0xf8: {  	s0 =	sshrl.u32 s0, $0x3  }
0xf9: {  	s0 =	sadd.s32 s6, s0  }
0xfa: {  	[tilespmem:s25], [sflag:$0x1] =	stream.strided.gather [hbm4b:s0+s22], $0x1000, s23, s22, $0x38;
	[tilespmem:$0x2000] =	vst v63  }
0xfb: {  	_ =	swait.ge [sflag:s24], $0x1000  }
0xfc: {  	[sflag:s24] =	ssyncset.done $0x0  }
0xfd: {  	s0 =	simm.s32 $0x0;
	[sflag:s24] =	ssyncadd.s32 $0xFFFFF000  }
0xfe: {  	v0 =	vld [tilespmem:s0+$0x0];
	_ =	sdelay $0x7  }
0xff: {  	s1 =	simm.s32 $0x10;
	s4 =	simm.s32 $0x80;
	v0 =	vld.idx.msk [tilespmem:v0+s25+$0x0], $0xffff  }
.LBB2_31:
0x100: {  	p0 =	sne.s32 s4, $0x1FC0;
	v1 =	vld [tilespmem:s1+$0x0];
	_ =	sdelay $0x3  }
.Ltmp14:
0x101: {  	(pc) =	sbr.rel @p0 .LBB2_31-.Ltmp14, $2  }
0x102: {  	[tilespmem:s0+$0x1800] =	vst v0;
	s0 =	smov.u32 s1;
	_ =	sdelay $0x2  }
0x103: {  	s1 =	sshra.s32 s4, $0x2;
	s4 =	sadd.s32 $0x40, s4;
	v0 =	vld.idx.msk [tilespmem:v1+s25+$0x0], $0xffff  }
0x104: {  	v1 =	vld [tilespmem:s1+$0x0];
	_ =	sdelay $0x6  }
0x105: {  	[tilespmem:s0+$0x1800] =	vst v0  }
0x106: {  	v0 =	vld.idx.msk [tilespmem:v1+s25+$0x0], $0xffff;
	_ =	sdelay $0x1  }
0x107: {  	s30 =	sshll.u32 s30, $0xE  }
0x108: {  	s29 =	sadd.s32 $0x1, s29;
	s0 =	sor.u32 s31, s30  }
0x109: {  	p0 =	sne.s32 s29, $0x18;
	s0 =	sshrl.u32 s0, $0x3  }
.Ltmp15:
0x10a: {  	s0 =	sadd.s32 s3, s0;
	[tilespmem:s1+$0x1800] =	vst v0;
	(pc) =	sbr.rel @p0 .LBB2_30-.Ltmp15, $4  }
0x10b: {  	[hbm4b:s0+s22] =	stream.strided.scatter [tilespmem:s26], [sflag:$0x1], $0x800, s23, s22, $0x38;
	[tilespmem:$0x2000] =	vst v63  }
0x10c: {  	_ =	swait.ge [sflag:s24], $0x800  }
0x10d: {  	[sflag:s24] =	ssyncset.done $0x0  }
0x10e: {  	[sflag:s24] =	ssyncadd.s32 $0xFFFFF800  }
0x10f: {  	s28 =	sadd.s32 $0x1, s28  }
0x110: {  	p0 =	sne.s32 s28, s21  }
.Ltmp16:
0x111: {  	_ = 	snop;
	(pc) =	sbr.rel @p0 .LBB2_1-.Ltmp16, $1  }
0x112: {  	_ =	sdelay $0x3  }
0x113: {  	_ =	sfence.sel $0x180000  }
0x114: {  	[bflag:$0x0] =	sbarrier.arrive $0xFFFF  }
0x115: {  	_ =	strace $0x9000004D  }
0x116: {  	s0 =	stileid.u32;
	[bflag:$0x2] =	sbarrier.arrive $0xFFFF  }
0x117: {  	p0 =	sne.s32 s0, $0x0;
	s0 =	rddreg [dreg:$0x3]  }
0x118: {  	s0 =	sadd.s32 @!p0 $0x100000, s0  }
0x119: {  	[sflag:s0] =	ssyncadd.tile.s32 @!p0 $0x1;
	_ =	shalt  }
.Lfunc_end2:
_tile_overlayer_lowered:
.L_overlay_start_2:
0x11a: {  	(tag) =	ssettag $0x2  }
0x11b: {  	s0 =	rddreg [dreg:$0x0];
	s2 =	stileid.u32  }
0x11c: {  	s1 =	rddreg [dreg:$0x1];
	p0 =	sne.s32 s2, $0x0  }
0x11d: {  	s3 =	rddreg [dreg:$0x2];
	[bflag:$0x3] =	sbarrier.arrive $0xFFFF;
	s2 =	simm.s32 @!p0 $0x1C01  }
0x11e: {  	[timem:s3], [sflag:s2] =	dma.local @!p0 [hbm:s0], s1  }
0x11f: {  	s0 =	simm.s32 @!p0 $0x1  }
0x120: {  	_ =	swait.ge @!p0 [sflag:s0], s1  }
0x121: {  	s1 =	ssub.s32 @!p0 $0x0, s1;
	[sflag:s0] =	ssyncset.done @!p0 $0x0  }
0x122: {  	[sflag:s0] =	ssyncadd.s32 @!p0 s1  }
0x123: {  	[bflag:$0x3] =	sbarrier.arrive $0xFFFF  }
0x124: {  	_ =	shalt  }

// kernel: sparse-core-data-format-call.cloned.1.call-start
scs
called_computation_lowered:
.L_overlay_start_0:
0x0: {  	s2 =	sld [smem:$0x3FD9]  }
0x1: {  	s3 =	sld [smem:$0x3FFE];
	_ =	sdelay $0x1  }
0x2: {  	s1 =	srdreg.scid  }
0x3: {  	s0 =	sand.u32 $0x1, s1  }
0x4: {  	s18 =	sshll.u32 s0, $0xA;
	s2 =	sadd.s32 s3, s2  }
0x5: {  	s2 =	sadd.s32 s2, s18  }
0x6: {  	[smem:$0x3FC3] =	sst s2  }
0x7: {  	_ = 	snop  }
0x8: {  	s2 =	sld [smem:$0x3FC9];
	(tm) =	ssettm $0x1  }
0x9: {  	s19 =	sld [smem:$0x3FFB];
	_ =	sdelay $0x3  }
0xa: {  	_ =	strace s19  }
0xb: {  	s3 =	sld [smem:$0x3FFC];
	_ =	sdelay $0x3  }
0xc: {  	_ =	strace s3  }
0xd: {  	s3 =	sld [smem:$0x3FFD];
	_ =	sdelay $0x3  }
0xe: {  	_ =	strace s3  }
0xf: {  	_ =	strace $0x8FFFFFFF  }
0x10: {  	s20 =	sld [smem:$0x3FDB];
	_ =	sdelay $0x1  }
0x11: {  	s4 =	simm.s32 $_scs_section_size  }
0x12: {  	s5 =	simm.s32 $_size__tile_overlayer_lowered;
	s6 =	simm.s32 $_tile_overlayer_lowered  }
0x13: {  	s23 =	simm.s32 $0x1BFF;
	s22 =	sshll.u32 s6, $0x1;
	s3 =	sadd.s32 s4, s20  }
0x14: {  	s7 =	simm.s32 $0x0;
	s21 =	sshll.u32 s5, $0x1;
	s5 =	sadd.s32 s22, s3  }
0x15: {  	[timem:s7], [sflag:s23] =	dma.local [hbm:s5], s21  }
0x16: {  	_ =	swait.ge [sflag:s23], s21  }
0x17: {  	s4 =	ssub.s32 $0x0, s21;
	[sflag:s23] =	ssyncset.done $0x0  }
0x18: {  	[sflag:s23] =	ssyncadd.s32 s4;
	_ =	sdelay $0x1  }
0x19: {  	s24 =	simm.s32 $0x1B8B  }
0x1a: {  	_ =	swait.ge [sflag:s24], $0x1  }
0x1b: {  	[sflag:s24] =	ssyncset.done $0x0  }
0x1c: {  	s26 =	simm.s32 $0x1B8E;
	s25 =	sld [smem:$0x3FFE];
	[sflag:s24] =	ssyncadd.s32 $0xFFFFFFFF  }
0x1d: {  	s27 =	simm.s32 $execute0_lowered;
	[smem:$0x3FD2] =	sst s26  }
0x1e: {  	s5 =	sshll.u32 s27, $0x1;
	_ =	strace $0x80000046;
	[dreg:$0x1] =	wrdreg $0xFFFFFFFF  }
0x1f: {  	s28 =	simm.s32 $_size_execute0_lowered;
	s3 =	sadd.s32 s3, s5;
	[dreg:$0x0] =	wrdreg $0x0  }
0x20: {  	s5 =	sshll.u32 s28, $0x1;
	[dreg:$0x2] =	wrdreg s3  }
0x21: {  	[dreg:$0x3] =	wrdreg s5  }
0x22: {  	[dreg:$0x4] =	wrdreg $0xC0  }
0x23: {  	_ =	task [dreg:s7], $0x5FFFF  }
0x24: {  	[dreg:$0x1] =	wrdreg $0xFFFFFFFF  }
0x25: {  	[dreg:$0x0] =	wrdreg $0x60  }
0x26: {  	[dreg:$0x2] =	wrdreg s2  }
0x27: {  	[dreg:$0x3] =	wrdreg s25  }
0x28: {  	[dreg:$0x4] =	wrdreg $0xA  }
0x29: {  	_ =	task.clear_ibuf [dreg:s7], $0x5FFFF;
	_ =	strace $0x90000046  }
0x2a: {  	s29 =	simm.s32 $0xA;
	_ =	strace $0x80000048  }
0x2b: {  	_ =	swait.ge [sflag:s29], $0x1  }
0x2c: {  	[sflag:s29] =	ssyncadd.s32 $0xFFFFFFFF  }
0x2d: {  	_ =	strace $0x90000048  }
0x2e: {  	_ =	sfence  }
0x2f: {  	s30 =	sld [smem:$0x0];
	_ =	sdelay $0x2  }
0x30: {  	s31 =	sshll.u32 s1, $0xD;
	s1 =	sshrl.u32 s1, $0x2  }
0x31: {  	s3 =	sand.u32 $0x4000, s31;
	s1 =	sadd.s32 s1, s30  }
0x32: {  	s0 =	sor.u32 s3, s0;
	s1 =	sshll.u32 s1, $0x11  }
0x33: {  	s0 =	sor.u32 s1, s0  }
0x34: {  	s0 =	sadd.s32 $0x8F2B, s0  }
0x35: {  	[sflag:s0] =	ssyncadd.remote.s32 $0x1  }
0x36: {  	_ =	sfence.sel $0xFFFF  }
0x37: {  	[dreg:$0x0] =	wrdreg $0xFFFFFFFF;
	(pc) =	sbr.abs _section_cstart, $3  }
0x38: {  	[dreg:$0x1] =	wrdreg $0xFFFFFFFF  }
0x39: {  	_ =	task.clear_ibuf [dreg:s7], $0x2FFFF;
	_ =	strace $0x9FFFFFFF  }
0x3a: {  	(tm) =	ssettm $0x7FFFFFFF  }
0x3b: {  	_ =	shalt  }
tec
execute0_lowered:
.L_overlay_start_1:
0x0: {  	(tag) =	ssettag $0x1  }
0x1: {  	s2 =	rddreg [dreg:$0x0]  }
0x2: {  	s3 =	rddreg [dreg:$0x1]  }
0x3: {  	s1 =	srdreg.scid;
	s0 =	rddreg [dreg:$0x2];
	_ =	strace $0x80000047  }
0x4: {  	s5 =	simm.s32 $0x1;
	s7 =	simm.s32 $0x2;
	s16 =	simm.s32 $0x0  }
0x5: {  	p0 =	por $0x0, $0x0;
	s8 =	simm.s32 $0x2000;
	s17 =	simm.s32 $0x0  }
0x6: {  	s18 =	simm.s32 $0x0;
	s9 =	simm.s32 $0x0;
	s11 =	simm.s32 $0x0  }
.Ltmp0:
0x7: {  	s12 =	simm.s32 $0x0;
	s4 =	sshll.u32 s1, $0x4;
	(pc) =	sbr.rel .LBB1_1-.Ltmp0, $4  }
0x8: {  	s13 =	simm.s32 $0x0;
	s1 =	stileid.u32;
	s4 =	sand.u32 $0x10, s4  }
0x9: {  	s10 =	simm.s32 $0x0;
	[sflag:s5] =	ssyncpa.u1 $0x0;
	s6 =	sor.u32 s1, s4  }
0xa: {  	[sflag:s7] =	ssyncpa.u1 $0x0;
	s4 =	sand.u32 $0x7, s1;
	s6 =	sshrl.u32 s6, $0x3  }
0xb: {  	s7 =	simm.s32 $0x40;
	s15 =	smov.u32 s4;
	s14 =	smov.u32 s6  }
.LBB1_5:
0xc: {  	p1 =	slt.u32 s10, $0x2;
	s19 =	smov.u32 s18  }
0xd: {  	p2 =	sgt.s32 @!p1 s18, $0x7;
	s20 =	sshra.s32 @!p1 s18, $0x1F;
	s21 =	sshra.s32 @!p1 s17, $0x1F  }
0xe: {  	p2 =	por !p2, p1;
	s18 =	sand.u32 @!p1 s20, s18;
	s20 =	smov.u32 s17  }
0xf: {  	s19 =	simm.s32 @p2 $0x7;
	p2 =	sgt.s32 @!p1 s17, $0x7;
	s17 =	sand.u32 @!p1 s21, s17  }
0x10: {  	s21 =	sshra.s32 @!p1 s16, $0x1F;
	s18 =	ssub.s32 @!p1 s19, s18;
	p3 =	por !p2, p1  }
0x11: {  	s19 =	sadd.s32 @!p1 $0xFFFFFFF9, s18;
	s20 =	simm.s32 @p3 $0x7;
	s18 =	ssub.s32 @!p1 $0x8, s18  }
0x12: {  	p3 =	sgt.s32 @!p1 s16, $0x3F;
	p2 =	sgt.s32 @!p1 s19, $0x0;
	s17 =	ssub.s32 @!p1 s20, s17  }
0x13: {  	p3 =	por !p3, p1;
	s20 =	smov.u32 s16;
	s16 =	sand.u32 @!p1 s21, s16  }
0x14: {  	s18 =	smul.u32 @!p1 $0x1800, s18;
	s19 =	sadd.s32 @!p1 $0xFFFFFFF9, s17;
	s20 =	simm.s32 @p3 $0x3F  }
0x15: {  	s17 =	ssub.s32 @!p1 $0x8, s17;
	p3 =	sgt.s32 @!p1 s19, $0x0;
	s16 =	ssub.s32 @!p1 s20, s16  }
0x16: {  	p2 =	por !p2, p1;
	p3 =	por !p3, p1;
	s19 =	sadd.s32 @!p1 $0xFFFFFFC1, s16  }
0x17: {  	s18 =	simm.s32 @!p2 $0x0;
	s17 =	simm.s32 @!p3 $0x0;
	p3 =	sgt.s32 @!p1 s19, $0x0  }
0x18: {  	s16 =	ssub.s32 @!p1 $0x40, s16;
	p2 =	por !p3, p1;
	s17 =	smul.u32 @!p1 s17, s18  }
0x19: {  	s20 =	smov.u32 s14;
	s19 =	sadd.s32 $0x1, s13;
	s16 =	simm.s32 @!p2 $0x0  }
0x1a: {  	p2 =	sgt.s32 s19, $0x3F;
	s16 =	smul.u32 @!p1 s16, s17;
	s17 =	sadd.s32 $0x4, s14  }
0x1b: {  	s20 =	smov.u32 @p2 s17  }
0x1c: {  	s22 =	smov.u32 s15;
	s17 =	sadd.s32 $0x8, s15;
	p3 =	sgt.s32 s20, $0x7  }
0x1d: {  	s10 =	sadd.s32 $0x1, s10;
	p0 =	por !p0, !p0;
	s22 =	smov.u32 @p3 s17  }
0x1e: {  	s21 =	simm.s32 @!p1 $0x2;
	s19 =	simm.s32 @p2 $0x0;
	p2 =	sgt.s32 s22, $0x7  }
0x1f: {  	s18 =	smov.u32 s12;
	s22 =	smov.u32 @p2 s4;
	p2 =	sne.s32 s10, $0x82  }
.Ltmp1:
0x20: {  	s12 =	smov.u32 s15;
	s16 =	sand.u32 @!p1 $0x3FFFF800, s16;
	(pc) =	sbr.rel @!p2 .LBB1_6-.Ltmp1, $4  }
0x21: {  	_ =	swait.ge @!p1 [sflag:s21], s16;
	s23 =	ssub.s32 @!p1 $0x0, s16;
	s16 =	smov.u32 s9  }
0x22: {  	s17 =	smov.u32 s11;
	s20 =	smov.u32 @p3 s6;
	s9 =	smov.u32 s13  }
0x23: {  	s11 =	smov.u32 s14;
	s13 =	smov.u32 s19;
	[sflag:s21] =	ssyncset.done @!p1 $0x0  }
0x24: {  	s14 =	smov.u32 s20;
	[sflag:s21] =	ssyncadd.s32 @!p1 s23;
	s15 =	smov.u32 s22  }
.LBB1_1:
0x25: {  	p1 =	sgt.u32 s10, $0x7F  }
0x26: {  	s19 =	sshll.u32 @!p1 s15, $0x13  }
0x27: {  	s20 =	sxor.u32 @!p1 $0xFFFFFFFF, s10;
	s21 =	sshll.u32 @!p1 s14, $0x10;
	s19 =	sadd.s32 @!p1 s2, s19  }
0x28: {  	s22 =	sshll.u32 @!p1 s13, $0xA;
	s20 =	sshll.u32 @!p1 s20, $0xD;
	s19 =	sadd.s32 @!p1 s21, s19  }
0x29: {  	s20 =	sand.u32 @!p1 $0x2000, s20;
	s21 =	simm.s32 @!p1 $0x0;
	s19 =	sadd.s32 @!p1 s22, s19  }
0x2a: {  	[tilespmem:s20], [sflag:$0x1] =	stream.linear.gather @!p1 [hbm4b:s19+s21], $0x2000, $0x38;
	[tilespmem:$0x8100] =	vst v63  }
0x2b: {  	p1 =	seq.s32 s10, $0x0  }
0x2c: {  	p2 =	seq.s32 @!p1 s10, $0x81  }
0x2d: {  	p1 =	por p1, p2  }
.Ltmp2:
0x2e: {  	_ = 	snop;
	(pc) =	sbr.rel @p1 .LBB1_5-.Ltmp2, $1  }
0x2f: {  	_ =	sdelay $0x3  }
0x30: {  	s19 =	simm.s32 $0x1  }
0x31: {  	_ =	swait.ge [sflag:s5], $0x2000;
	s19 =	simm.s32 @!p0 $0x0  }
0x32: {  	[sflag:s5] =	ssyncset.done $0x0;
	s20 =	sshll.u32 s19, $0xD  }
0x33: {  	[sflag:s5] =	ssyncadd.s32 $0xFFFFE000;
	s20 =	sor.u32 $0x40, s20  }
0x34: {  	s19 =	smul.u32 $0x8200, s19;
	v0 =	vld [tilespmem:s20+$0x30]  }
0x35: {  	v1 =	vld [tilespmem:s20+$0xFFFFFFD0]  }
0x36: {  	s19 =	sshrl.u32 s19, $0x2;
	v5 =	vld [tilespmem:s20+$0xFFFFFFE0]  }
0x37: {  	v6 =	vld [tilespmem:s20+$0xFFFFFFF0];
	s22 =	sor.u32 $0x4000, s19  }
0x38: {  	s31 =	sand.u32 $0x1, s10;
	v4 =	vld [tilespmem:s20+$0x0];
	s21 =	sadd.s32 $0x0, s22  }
0x39: {  	v3 =	vld [tilespmem:s20+$0x10];
	s19 =	smul.u32 $0x8200, s31;
	[tilespmem:s21+$0x1C70 ss:$0x41] =	vst.msk $0xffff, v0  }
0x3a: {  	v2 =	vld [tilespmem:s20+$0x20];
	[tilespmem:s21+$0x410 ss:$0x41] =	vst.msk $0xffff, v1  }
0x3b: {  	s19 =	sshrl.u32 s19, $0x2;
	v1 =	vld [tilespmem:s20+$0xFFFFFFC0];
	[tilespmem:s21+$0x820 ss:$0x41] =	vst.msk $0xffff, v5;
	s20 =	sadd.s32 $0x80, s20  }
0x3c: {  	s23 =	simm.s32 $0x4;
	s24 =	simm.s32 $0x8;
	s19 =	sor.u32 $0x4000, s19;
	[tilespmem:s21+$0xC30 ss:$0x41] =	vst.msk $0xffff, v6;
	v0 =	vld [tilespmem:s20+$0x30]  }
.LBB1_3:
0x3d: {  	p1 =	sne.s32 s24, $0xFC;
	v5 =	vld [tilespmem:s20+$0xFFFFFFD0];
	[tilespmem:s21+$0x1040 ss:$0x41] =	vst.msk $0xffff, v4  }
0x3e: {  	v6 =	vld [tilespmem:s20+$0xFFFFFFE0];
	[tilespmem:s21+$0x1450 ss:$0x41] =	vst.msk $0xffff, v3  }
0x3f: {  	s25 =	sshra.s32 s23, $0x2;
	s23 =	smov.u32 s24;
	v7 =	vld [tilespmem:s20+$0xFFFFFFF0];
	[tilespmem:s21+$0x1860 ss:$0x41] =	vst.msk $0xffff, v2  }
.Ltmp3:
0x40: {  	v4 =	vld [tilespmem:s20+$0x0];
	[tilespmem:s21+$0x0 ss:$0x41] =	vst.msk $0xffff, v1;
	s21 =	sadd.s32 s25, s22;
	(pc) =	sbr.rel @p1 .LBB1_3-.Ltmp3, $4  }
0x41: {  	v3 =	vld [tilespmem:s20+$0x10];
	[tilespmem:s21+$0x1C70 ss:$0x41] =	vst.msk $0xffff, v0  }
0x42: {  	[tilespmem:s21+$0x410 ss:$0x41] =	vst.msk $0xffff, v5;
	v2 =	vld [tilespmem:s20+$0x20]  }
0x43: {  	v1 =	vld [tilespmem:s20+$0xFFFFFFC0];
	[tilespmem:s21+$0x820 ss:$0x41] =	vst.msk $0xffff, v6;
	s20 =	sadd.s32 $0x80, s20  }
0x44: {  	s24 =	sadd.s32 $0x4, s24;
	v0 =	vld [tilespmem:s20+$0x30];
	[tilespmem:s21+$0xC30 ss:$0x41] =	vst.msk $0xffff, v7  }
0x45: {  	p1 =	sgt.s32 s12, $0x7;
	s24 =	smov.u32 s12  }
0x46: {  	s25 =	sshra.s32 s12, $0x1F;
	s26 =	smov.u32 s11;
	s27 =	sshra.s32 s11, $0x1F  }
0x47: {  	s23 =	sshra.s32 s23, $0x2;
	p3 =	sgt.s32 s9, $0x3F;
	s29 =	smul.u32 $0xC0000, s12  }
0x48: {  	[tilespmem:s21+$0x1040 ss:$0x41] =	vst.msk $0xffff, v4;
	s24 =	simm.s32 @!p1 $0x7;
	p1 =	sgt.s32 s11, $0x7;
	s25 =	sand.u32 s25, s12  }
0x49: {  	v5 =	vld [tilespmem:s20+$0xFFFFFFD0];
	s27 =	sand.u32 s27, s11;
	[tilespmem:s21+$0x1450 ss:$0x41] =	vst.msk $0xffff, v3;
	s26 =	simm.s32 @!p1 $0x7;
	s24 =	ssub.s32 s24, s25  }
0x4a: {  	v58 =	vld [tilespmem:s20+$0xFFFFFFE0];
	s22 =	sadd.s32 s23, s22;
	[tilespmem:s21+$0x1860 ss:$0x41] =	vst.msk $0xffff, v2;
	s30 =	ssub.s32 s26, s27;
	s31 =	sadd.s32 $0xFFFFFFF9, s24  }
0x4b: {  	v59 =	vld [tilespmem:s20+$0xFFFFFFF0];
	s24 =	ssub.s32 $0x8, s24;
	[tilespmem:s21+$0x0 ss:$0x41] =	vst.msk $0xffff, v1;
	s21 =	smov.u32 s9;
	s27 =	sshra.s32 s9, $0x1F  }
0x4c: {  	v60 =	vld [tilespmem:s20+$0x0];
	s26 =	sadd.s32 $0xFFFFFFF9, s30;
	p1 =	sgt.s32 s31, $0x0;
	s23 =	smul.u32 $0x1800, s24  }
0x4d: {  	v61 =	vld [tilespmem:s20+$0x10];
	s21 =	simm.s32 @!p3 $0x3F;
	[tilespmem:s22+$0x1C70 ss:$0x41] =	vst.msk $0xffff, v0;
	s25 =	ssub.s32 $0x8, s30;
	s24 =	sand.u32 s27, s9  }
0x4e: {  	v62 =	vld [tilespmem:s20+$0x20];
	s30 =	smul.u32 $0x18000, s11;
	p2 =	sgt.s32 s26, $0x0;
	s21 =	ssub.s32 s21, s24;
	[tilespmem:s22+$0x410 ss:$0x41] =	vst.msk $0xffff, v5  }
0x4f: {  	v63 =	vld [tilespmem:s20+$0xFFFFFFC0];
	[tilespmem:s22+$0x820 ss:$0x41] =	vst.msk $0xffff, v58;
	s25 =	simm.s32 @p2 $0x0;
	s23 =	simm.s32 @p1 $0x0;
	s28 =	sadd.s32 $0xFFFFFFC1, s21  }
0x50: {  	[tilespmem:s22+$0xC30 ss:$0x41] =	vst.msk $0xffff, v59;
	s20 =	ssub.s32 $0x40, s21;
	s23 =	smul.u32 s25, s23;
	p1 =	sgt.s32 s28, $0x0  }
.Ltmp4:
0x51: {  	[tilespmem:s22+$0x1040 ss:$0x41] =	vst.msk $0xffff, v60;
	s20 =	simm.s32 @p1 $0x0;
	(pc) =	sbr.rel .LBB1_5-.Ltmp4, $4  }
0x52: {  	s31 =	sshll.u32 s9, $0x4;
	[tilespmem:s22+$0x1450 ss:$0x41] =	vst.msk $0xffff, v61;
	s21 =	sadd.s32 s3, s29;
	s20 =	smul.u32 s20, s23  }
0x53: {  	[tilespmem:s22+$0x1860 ss:$0x41] =	vst.msk $0xffff, v62;
	s21 =	sadd.s32 s30, s21;
	s23 =	sand.u32 $0x3F0, s31  }
0x54: {  	[tilespmem:s22+$0x0 ss:$0x41] =	vst.msk $0xffff, v63;
	s21 =	sadd.s32 s23, s21;
	s20 =	sand.u32 $0x3FFFF800, s20  }
0x55: {  	[hbm4b:s21+s7] =	stream.strided.scatter [tilespmem:s19], [sflag:$0x2], s20, s8, s7, $0x18;
	[tilespmem:$0x8100] =	vst v63  }
.LBB1_6:
0x56: {  	_ =	sfence.sel $0x180000  }
0x57: {  	s2 =	simm.s32 $0x1;
	[bflag:$0x0] =	sbarrier.arrive $0xFFFF  }
0x58: {  	s31 =	simm.s32 $0x2;
	[sflag:s2] =	ssyncpa.u1 $0x1  }
0x59: {  	[sflag:s31] =	ssyncpa.u1 $0x1  }
0x5a: {  	p0 =	sne.s32 s1, $0x0;
	_ =	strace $0x90000047  }
0x5b: {  	s0 =	sadd.s32 @!p0 $0x100000, s0;
	[bflag:$0x2] =	sbarrier.arrive $0xFFFF  }
0x5c: {  	[sflag:s0] =	ssyncadd.tile.s32 @!p0 $0x1;
	_ =	shalt  }
.Lfunc_end1:
_tile_overlayer_lowered:
.L_overlay_start_2:
0x5d: {  	(tag) =	ssettag $0x2  }
0x5e: {  	s0 =	rddreg [dreg:$0x0];
	s2 =	stileid.u32  }
0x5f: {  	s1 =	rddreg [dreg:$0x1];
	p0 =	sne.s32 s2, $0x0  }
0x60: {  	s3 =	rddreg [dreg:$0x2];
	[bflag:$0x3] =	sbarrier.arrive $0xFFFF;
	s2 =	simm.s32 @!p0 $0x1C01  }
0x61: {  	[timem:s3], [sflag:s2] =	dma.local @!p0 [hbm:s0], s1  }
0x62: {  	s0 =	simm.s32 @!p0 $0x1  }
0x63: {  	_ =	swait.ge @!p0 [sflag:s0], s1  }
0x64: {  	s1 =	ssub.s32 @!p0 $0x0, s1;
	[sflag:s0] =	ssyncset.done @!p0 $0x0  }
0x65: {  	[sflag:s0] =	ssyncadd.s32 @!p0 s1  }
0x66: {  	[bflag:$0x3] =	sbarrier.arrive $0xFFFF  }
0x67: {  	_ =	shalt  }

</sc_bundles>
